<compile_context>
chip_gen: v7x
topology: tpu7x:2x2x1
jax: 0.10.2.dev20260603
libtpu: 0.0.44.dev20260713+nightly
codegen_flags: <defaults>
</compile_context>

<pallas_src>
import functools

import numpy as np
import jax
import jax.numpy as jnp
from jax import lax
from jax.experimental import pallas as pl
from jax.experimental.pallas import tpu as pltpu
from jax.experimental.pallas import tpu_sc as plsc

_VOCAB = 1_000_000
_D = 128
_B = 4096
_H = 200
_NROWS = _B * _H
_NC, _NS = 2, 16
_NW = _NC * _NS
_ROWS_PER_W = _NROWS // _NW
_CHUNK = 128
_NCH = _ROWS_PER_W // _CHUNK
_NBUF = 5
_LOOK = 3
_SCALE = float(np.sqrt(float(_D)))


def _scale_buf(buf):
    def row(r, carry):
        for c in range(_D // 16):
            sl = (r, pl.ds(c * 16, 16))
            buf[sl] = buf[sl] * _SCALE
        return carry
    lax.fori_loop(0, _CHUNK, row, 0, unroll=2)


@functools.cache
def _build():
    mesh = plsc.VectorSubcoreMesh(
        core_axis_name="c", subcore_axis_name="s",
        num_cores=_NC, num_subcores=_NS)

    @functools.partial(
        pl.kernel,
        out_type=jax.ShapeDtypeStruct((_NROWS, _D), jnp.float32),
        mesh=mesh,
        scratch_types=[
            pltpu.VMEM((_NCH, _CHUNK), jnp.int32),
            *[pltpu.VMEM((_CHUNK, _D), jnp.float32) for _ in range(_NBUF)],
            *[pltpu.SemaphoreType.DMA for _ in range(2 * _NBUF)],
        ],
    )
    def embed(x_hbm, tab_hbm, out_hbm, idx_v, *scr):
        bufs = scr[:_NBUF]
        gsems = scr[_NBUF:2 * _NBUF]
        ssems = scr[2 * _NBUF:]
        wid = lax.axis_index("s") * _NC + lax.axis_index("c")
        row0 = wid * _ROWS_PER_W

        pltpu.sync_copy(x_hbm.at[pl.ds(wid * _NCH, _NCH)], idx_v)

        def gather(j, b):
            return pltpu.make_async_copy(
                tab_hbm.at[idx_v.at[j]], bufs[b], gsems[b])

        def scatter(j, b):
            return pltpu.make_async_copy(
                bufs[b],
                out_hbm.at[pl.ds(row0 + j * _CHUNK, _CHUNK)],
                ssems[b])

        for b in range(_LOOK):
            gather(b, b).start()

        def step(g, carry):
            for b in range(_NBUF):
                j = g * _NBUF + b
                f = (b + _LOOK) % _NBUF
                jf = j + _LOOK
                if b < _NBUF - _LOOK:
                    @pl.when(g >= 1)
                    def _():
                        scatter(jf - _NBUF, f).wait()
                    gather(jf, f).start()
                else:
                    @pl.when(g <= _NCH // _NBUF - 2)
                    def _():
                        scatter(jf - _NBUF, f).wait()
                        gather(jf, f).start()
                gather(j, b).wait()
                _scale_buf(bufs[b])
                scatter(j, b).start()
            return carry

        lax.fori_loop(0, _NCH // _NBUF, step, 0)

        for b in range(_NBUF):
            scatter(_NCH - _NBUF + b, b).wait()

    return embed


def kernel(x, emb_weight):
    xf = x.astype(jnp.int32).reshape(_NROWS // _CHUNK, _CHUNK)
    out = _build()(xf, emb_weight)
    return out.reshape(_B, _H, _D)

# --- scband reference (transcript-rebuilt; emitter-appended) ---
"""Pipeline reference for scband-embed-26508538151173 (READ-ONLY COPY).

The authoritative reference and input builder live on the scoring server;
editing this copy changes nothing except your own understanding.
"""

import jax, jax.numpy as jnp
import numpy as np

VOCAB = 1000000
D_MODEL = 128
BATCH = 4096
HIST = 200

def setup_inputs(seed: int = 0) -> dict:
    key = jax.random.key(seed)
    k_idx, k_emb = jax.random.split(key)
    x = jax.random.randint(k_idx, (BATCH, HIST), 0, VOCAB, dtype=jnp.int64 if jax.config.jax_enable_x64 else jnp.int32)
    emb_weight = jax.random.normal(k_emb, (VOCAB, D_MODEL), dtype=jnp.float32) * 0.02
    return {"x": x, "emb_weight": emb_weight}

def reference(x, emb_weight):
    scaling = np.sqrt(float(D_MODEL)).astype(np.float32)
    out = jnp.take(emb_weight, x, axis=0) * scaling
    return out

if __name__ == "__main__":
    import jax
    _d = setup_inputs()
    print(jax.jit(kernel)(*tuple(_d.values())))

</pallas_src>

<mosaic_0001>
#map = affine_map<(d0, d1) -> (0, 0)>
module attributes {stable_mosaic.version = 14 : i64} {
  func.func @embed(%arg0: i32, %arg1: i32, %arg2: memref<6400x128xi32, #tpu.memory_space<hbm>>, %arg3: memref<1000000x128xf32, #tpu.memory_space<hbm>>, %arg4: memref<819200x128xf32, #tpu.memory_space<hbm>>, %arg5: memref<200x128xi32, #tpu.memory_space<vmem>>, %arg6: memref<128x128xf32, #tpu.memory_space<vmem>>, %arg7: memref<128x128xf32, #tpu.memory_space<vmem>>, %arg8: memref<128x128xf32, #tpu.memory_space<vmem>>, %arg9: memref<128x128xf32, #tpu.memory_space<vmem>>, %arg10: memref<128x128xf32, #tpu.memory_space<vmem>>, %arg11: memref<!tpu.dma_semaphore, #tpu.memory_space<semaphore_mem>>, %arg12: memref<!tpu.dma_semaphore, #tpu.memory_space<semaphore_mem>>, %arg13: memref<!tpu.dma_semaphore, #tpu.memory_space<semaphore_mem>>, %arg14: memref<!tpu.dma_semaphore, #tpu.memory_space<semaphore_mem>>, %arg15: memref<!tpu.dma_semaphore, #tpu.memory_space<semaphore_mem>>, %arg16: memref<!tpu.dma_semaphore, #tpu.memory_space<semaphore_mem>>, %arg17: memref<!tpu.dma_semaphore, #tpu.memory_space<semaphore_mem>>, %arg18: memref<!tpu.dma_semaphore, #tpu.memory_space<semaphore_mem>>, %arg19: memref<!tpu.dma_semaphore, #tpu.memory_space<semaphore_mem>>, %arg20: memref<!tpu.dma_semaphore, #tpu.memory_space<semaphore_mem>>) attributes {dimension_semantics = [#tpu.dimension_semantics<core_parallel>, #tpu.dimension_semantics<subcore_parallel>], iteration_bounds = array<i64: 2, 16>, scalar_prefetch = 0 : i64, scratch_operands = 16 : i64, tpu.core_type = #tpu.core_type<sc_vector_subcore>, window_params = [{transform_indices = #map}, {transform_indices = #map}, {transform_indices = #map}]} {
    %mul3A = arith.constant 2 : i32
    %mul3A_0 = arith.muli %arg1, %mul3A : i32
    %add3A = arith.addi %mul3A_0, %arg0 : i32
    %mul3A_1 = arith.constant 25600 : i32
    %mul3A_2 = arith.muli %add3A, %mul3A_1 : i32
    %mul3A_3 = arith.constant 200 : i32
    %mul3A_4 = arith.muli %add3A, %mul3A_3 : i32
    "tpu.region"() ({
      %run_scoped3A = tpu.sem_alloc : memref<!tpu.dma_semaphore, #tpu.memory_space<semaphore_mem>>
      %dma_start3A_59 = arith.constant 0 : i32
      %dma_start3A_60 = tpu.memref_slice %arg2[%mul3A_4, %dma_start3A_59] : memref<6400x128xi32, #tpu.memory_space<hbm>> -> memref<200x128xi32, #tpu.memory_space<hbm>>
      %dma_start3A_61 = arith.constant 0 : i32
      %dma_start3A_62 = tpu.memref_slice %arg2[%mul3A_4, %dma_start3A_61] : memref<6400x128xi32, #tpu.memory_space<hbm>> -> memref<200x128xi32, #tpu.memory_space<hbm>>
      tpu.enqueue_dma source(%dma_start3A_62 : memref<200x128xi32, #tpu.memory_space<hbm>>) target(%arg5 : memref<200x128xi32, #tpu.memory_space<vmem>>) target_semaphore(%run_scoped3A : memref<!tpu.dma_semaphore, #tpu.memory_space<semaphore_mem>>)
      %dma_wait3A_63 = arith.constant 0 : i32
      %dma_wait3A_64 = tpu.memref_slice %arg2[%mul3A_4, %dma_wait3A_63] : memref<6400x128xi32, #tpu.memory_space<hbm>> -> memref<200x128xi32, #tpu.memory_space<hbm>>
      %dma_wait3A_65 = arith.constant 0 : i32
      %dma_wait3A_66 = tpu.memref_slice %arg2[%mul3A_4, %dma_wait3A_65] : memref<6400x128xi32, #tpu.memory_space<hbm>> -> memref<200x128xi32, #tpu.memory_space<hbm>>
      tpu.wait_dma2 semaphore(%run_scoped3A : memref<!tpu.dma_semaphore, #tpu.memory_space<semaphore_mem>>) src(%dma_wait3A_66 : memref<200x128xi32, #tpu.memory_space<hbm>>) dst(%arg5 : memref<200x128xi32, #tpu.memory_space<vmem>>)
      tpu.yield
    }) : () -> ()
    %dma_start3A = arith.constant 0 : i32
    %dma_start3A_5 = arith.constant 0 : i32
    %dma_start3A_6 = tpu.memref_slice %arg5[%dma_start3A, %dma_start3A_5] : memref<200x128xi32, #tpu.memory_space<vmem>> -> memref<1x128xi32, #tpu.memory_space<vmem>>
    %dma_start3A_7 = tpu.memref_squeeze %dma_start3A_6 : memref<1x128xi32, #tpu.memory_space<vmem>> -> memref<128xi32, #tpu.memory_space<vmem>>
    %dma_start3A_8 = arith.constant 0 : i32
    %dma_start3A_9 = arith.constant 0 : i32
    %dma_start3A_10 = tpu.memref_slice %arg3[%dma_start3A_8, %dma_start3A_9] : memref<1000000x128xf32, #tpu.memory_space<hbm>> -> memref<1000000x128xf32, #tpu.memory_space<hbm>>
    tpu.enqueue_indirect_dma source(%dma_start3A_10 : memref<1000000x128xf32, #tpu.memory_space<hbm>>) target(%arg6 : memref<128x128xf32, #tpu.memory_space<vmem>>) offsets(%dma_start3A_7 : memref<128xi32, #tpu.memory_space<vmem>>) semaphore(%arg11 : memref<!tpu.dma_semaphore, #tpu.memory_space<semaphore_mem>>)
    %dma_start3A_11 = arith.constant 1 : i32
    %dma_start3A_12 = arith.constant 0 : i32
    %dma_start3A_13 = tpu.memref_slice %arg5[%dma_start3A_11, %dma_start3A_12] : memref<200x128xi32, #tpu.memory_space<vmem>> -> memref<1x128xi32, #tpu.memory_space<vmem>>
    %dma_start3A_14 = tpu.memref_squeeze %dma_start3A_13 : memref<1x128xi32, #tpu.memory_space<vmem>> -> memref<128xi32, #tpu.memory_space<vmem>>
    %dma_start3A_15 = arith.constant 0 : i32
    %dma_start3A_16 = arith.constant 0 : i32
    %dma_start3A_17 = tpu.memref_slice %arg3[%dma_start3A_15, %dma_start3A_16] : memref<1000000x128xf32, #tpu.memory_space<hbm>> -> memref<1000000x128xf32, #tpu.memory_space<hbm>>
    tpu.enqueue_indirect_dma source(%dma_start3A_17 : memref<1000000x128xf32, #tpu.memory_space<hbm>>) target(%arg7 : memref<128x128xf32, #tpu.memory_space<vmem>>) offsets(%dma_start3A_14 : memref<128xi32, #tpu.memory_space<vmem>>) semaphore(%arg12 : memref<!tpu.dma_semaphore, #tpu.memory_space<semaphore_mem>>)
    %dma_start3A_18 = arith.constant 2 : i32
    %dma_start3A_19 = arith.constant 0 : i32
    %dma_start3A_20 = tpu.memref_slice %arg5[%dma_start3A_18, %dma_start3A_19] : memref<200x128xi32, #tpu.memory_space<vmem>> -> memref<1x128xi32, #tpu.memory_space<vmem>>
    %dma_start3A_21 = tpu.memref_squeeze %dma_start3A_20 : memref<1x128xi32, #tpu.memory_space<vmem>> -> memref<128xi32, #tpu.memory_space<vmem>>
    %dma_start3A_22 = arith.constant 0 : i32
    %dma_start3A_23 = arith.constant 0 : i32
    %dma_start3A_24 = tpu.memref_slice %arg3[%dma_start3A_22, %dma_start3A_23] : memref<1000000x128xf32, #tpu.memory_space<hbm>> -> memref<1000000x128xf32, #tpu.memory_space<hbm>>
    tpu.enqueue_indirect_dma source(%dma_start3A_24 : memref<1000000x128xf32, #tpu.memory_space<hbm>>) target(%arg8 : memref<128x128xf32, #tpu.memory_space<vmem>>) offsets(%dma_start3A_21 : memref<128xi32, #tpu.memory_space<vmem>>) semaphore(%arg13 : memref<!tpu.dma_semaphore, #tpu.memory_space<semaphore_mem>>)
    %scan3A = arith.constant 0 : i32
    %scan3A_25 = arith.constant 0 : i32
    %scan3A_26 = arith.constant 40 : i32
    %scan3A_27 = arith.addi %scan3A_25, %scan3A_26 : i32
    %scan3A_28 = arith.constant 1 : i32
    scf.for %scan3A_59 = %scan3A_25 to %scan3A_27 step %scan3A_28  : i32 {
      %mul3A_60 = arith.constant 5 : i32
      %mul3A_61 = arith.muli %scan3A_59, %mul3A_60 : i32
      %add3A_62 = arith.constant 0 : i32
      %add3A_63 = arith.addi %mul3A_61, %add3A_62 : i32
      %add3A_64 = arith.constant 3 : i32
      %add3A_65 = arith.addi %add3A_63, %add3A_64 : i32
      %ge3A = arith.constant 1 : i32
      %ge3A_66 = arith.cmpi sge, %scan3A_59, %ge3A : i32
      %convert_element_type3A = arith.extui %ge3A_66 : i1 to i32
      %cond3A = arith.constant 0 : i32
      %cond3A_67 = arith.cmpi ne, %convert_element_type3A, %cond3A : i32
      scf.if %cond3A_67 {
        %sub3A = arith.constant 5 : i32
        %sub3A_218 = arith.subi %add3A_65, %sub3A : i32
        %mul3A_219 = arith.constant 128 : i32
        %mul3A_220 = arith.muli %sub3A_218, %mul3A_219 : i32
        %add3A_221 = arith.addi %mul3A_2, %mul3A_220 : i32
        %dma_wait3A_222 = arith.constant 0 : i32
        %dma_wait3A_223 = tpu.memref_slice %arg4[%add3A_221, %dma_wait3A_222] : memref<819200x128xf32, #tpu.memory_space<hbm>> -> memref<128x128xf32, #tpu.memory_space<hbm>>
        %dma_wait3A_224 = arith.constant 0 : i32
        %dma_wait3A_225 = tpu.memref_slice %arg4[%add3A_221, %dma_wait3A_224] : memref<819200x128xf32, #tpu.memory_space<hbm>> -> memref<128x128xf32, #tpu.memory_space<hbm>>
        tpu.wait_dma2 semaphore(%arg19 : memref<!tpu.dma_semaphore, #tpu.memory_space<semaphore_mem>>) src(%arg9 : memref<128x128xf32, #tpu.memory_space<vmem>>) dst(%dma_wait3A_225 : memref<128x128xf32, #tpu.memory_space<hbm>>)
      } else {
      }
      %dma_start3A_68 = arith.constant 0 : i32
      %dma_start3A_69 = tpu.memref_slice %arg5[%add3A_65, %dma_start3A_68] : memref<200x128xi32, #tpu.memory_space<vmem>> -> memref<1x128xi32, #tpu.memory_space<vmem>>
      %dma_start3A_70 = tpu.memref_squeeze %dma_start3A_69 : memref<1x128xi32, #tpu.memory_space<vmem>> -> memref<128xi32, #tpu.memory_space<vmem>>
      %dma_start3A_71 = arith.constant 0 : i32
      %dma_start3A_72 = arith.constant 0 : i32
      %dma_start3A_73 = tpu.memref_slice %arg3[%dma_start3A_71, %dma_start3A_72] : memref<1000000x128xf32, #tpu.memory_space<hbm>> -> memref<1000000x128xf32, #tpu.memory_space<hbm>>
      tpu.enqueue_indirect_dma source(%dma_start3A_73 : memref<1000000x128xf32, #tpu.memory_space<hbm>>) target(%arg9 : memref<128x128xf32, #tpu.memory_space<vmem>>) offsets(%dma_start3A_70 : memref<128xi32, #tpu.memory_space<vmem>>) semaphore(%arg14 : memref<!tpu.dma_semaphore, #tpu.memory_space<semaphore_mem>>)
      %dma_wait3A_74 = arith.constant 0 : i32
      %dma_wait3A_75 = tpu.memref_slice %arg5[%add3A_63, %dma_wait3A_74] : memref<200x128xi32, #tpu.memory_space<vmem>> -> memref<1x128xi32, #tpu.memory_space<vmem>>
      %dma_wait3A_76 = tpu.memref_squeeze %dma_wait3A_75 : memref<1x128xi32, #tpu.memory_space<vmem>> -> memref<128xi32, #tpu.memory_space<vmem>>
      %dma_wait3A_77 = arith.constant 0 : i32
      %dma_wait3A_78 = arith.constant 0 : i32
      %dma_wait3A_79 = tpu.memref_slice %arg3[%dma_wait3A_77, %dma_wait3A_78] : memref<1000000x128xf32, #tpu.memory_space<hbm>> -> memref<1000000x128xf32, #tpu.memory_space<hbm>>
      tpu.wait_indirect_dma semaphore(%arg11 : memref<!tpu.dma_semaphore, #tpu.memory_space<semaphore_mem>>) src(%dma_wait3A_79 : memref<1000000x128xf32, #tpu.memory_space<hbm>>) dst(%arg6 : memref<128x128xf32, #tpu.memory_space<vmem>>)
      %scan3A_80 = arith.constant 0 : i32
      %scan3A_81 = arith.constant 0 : i32
      %scan3A_82 = arith.constant 128 : i32
      %scan3A_83 = arith.addi %scan3A_81, %scan3A_82 : i32
      %scan3A_84 = arith.constant 2 : i32
      scf.for %scan3A_218 = %scan3A_81 to %scan3A_83 step %scan3A_84  : i32 {
        %get3A = arith.index_cast %scan3A_218 : i32 to index
        %get3A_219 = arith.constant 0 : index
        %get3A_220 = tpu.vector_load %arg6[%get3A, %get3A_219] {strides = array<i32>} : memref<128x128xf32, #tpu.memory_space<vmem>>, vector<1x16xf32>,
        %get3A_221 = vector.shape_cast %get3A_220 : vector<1x16xf32> to vector<16xf32>
        %mul3A_222 = arith.constant 11.3137083 : f32
        %mul3A_223 = vector.broadcast %mul3A_222 : f32 to vector<16xf32>
        %mul3A_224 = arith.mulf %get3A_221, %mul3A_223 : vector<16xf32>
        %swap3A = arith.index_cast %scan3A_218 : i32 to index
        %swap3A_225 = arith.constant 0 : index
        %swap3A_226 = tpu.vector_load %arg6[%swap3A, %swap3A_225] {strides = array<i32>} : memref<128x128xf32, #tpu.memory_space<vmem>>, vector<1x16xf32>,
        %swap3A_227 = vector.shape_cast %swap3A_226 : vector<1x16xf32> to vector<16xf32>
        %swap3A_228 = vector.shape_cast %mul3A_224 : vector<16xf32> to vector<1x16xf32>
        tpu.vector_store %arg6[%swap3A, %swap3A_225], %swap3A_228 {strides = array<i32>} : memref<128x128xf32, #tpu.memory_space<vmem>>, vector<1x16xf32>,
        %get3A_229 = arith.index_cast %scan3A_218 : i32 to index
        %get3A_230 = arith.constant 16 : index
        %get3A_231 = tpu.vector_load %arg6[%get3A_229, %get3A_230] {strides = array<i32>} : memref<128x128xf32, #tpu.memory_space<vmem>>, vector<1x16xf32>,
        %get3A_232 = vector.shape_cast %get3A_231 : vector<1x16xf32> to vector<16xf32>
        %mul3A_233 = arith.constant 11.3137083 : f32
        %mul3A_234 = vector.broadcast %mul3A_233 : f32 to vector<16xf32>
        %mul3A_235 = arith.mulf %get3A_232, %mul3A_234 : vector<16xf32>
        %swap3A_236 = arith.index_cast %scan3A_218 : i32 to index
        %swap3A_237 = arith.constant 16 : index
        %swap3A_238 = tpu.vector_load %arg6[%swap3A_236, %swap3A_237] {strides = array<i32>} : memref<128x128xf32, #tpu.memory_space<vmem>>, vector<1x16xf32>,
        %swap3A_239 = vector.shape_cast %swap3A_238 : vector<1x16xf32> to vector<16xf32>
        %swap3A_240 = vector.shape_cast %mul3A_235 : vector<16xf32> to vector<1x16xf32>
        tpu.vector_store %arg6[%swap3A_236, %swap3A_237], %swap3A_240 {strides = array<i32>} : memref<128x128xf32, #tpu.memory_space<vmem>>, vector<1x16xf32>,
        %get3A_241 = arith.index_cast %scan3A_218 : i32 to index
        %get3A_242 = arith.constant 32 : index
        %get3A_243 = tpu.vector_load %arg6[%get3A_241, %get3A_242] {strides = array<i32>} : memref<128x128xf32, #tpu.memory_space<vmem>>, vector<1x16xf32>,
        %get3A_244 = vector.shape_cast %get3A_243 : vector<1x16xf32> to vector<16xf32>
        %mul3A_245 = arith.constant 11.3137083 : f32
        %mul3A_246 = vector.broadcast %mul3A_245 : f32 to vector<16xf32>
        %mul3A_247 = arith.mulf %get3A_244, %mul3A_246 : vector<16xf32>
        %swap3A_248 = arith.index_cast %scan3A_218 : i32 to index
        %swap3A_249 = arith.constant 32 : index
        %swap3A_250 = tpu.vector_load %arg6[%swap3A_248, %swap3A_249] {strides = array<i32>} : memref<128x128xf32, #tpu.memory_space<vmem>>, vector<1x16xf32>,
        %swap3A_251 = vector.shape_cast %swap3A_250 : vector<1x16xf32> to vector<16xf32>
        %swap3A_252 = vector.shape_cast %mul3A_247 : vector<16xf32> to vector<1x16xf32>
        tpu.vector_store %arg6[%swap3A_248, %swap3A_249], %swap3A_252 {strides = array<i32>} : memref<128x128xf32, #tpu.memory_space<vmem>>, vector<1x16xf32>,
        %get3A_253 = arith.index_cast %scan3A_218 : i32 to index
        %get3A_254 = arith.constant 48 : index
        %get3A_255 = tpu.vector_load %arg6[%get3A_253, %get3A_254] {strides = array<i32>} : memref<128x128xf32, #tpu.memory_space<vmem>>, vector<1x16xf32>,
        %get3A_256 = vector.shape_cast %get3A_255 : vector<1x16xf32> to vector<16xf32>
        %mul3A_257 = arith.constant 11.3137083 : f32
        %mul3A_258 = vector.broadcast %mul3A_257 : f32 to vector<16xf32>
        %mul3A_259 = arith.mulf %get3A_256, %mul3A_258 : vector<16xf32>
        %swap3A_260 = arith.index_cast %scan3A_218 : i32 to index
        %swap3A_261 = arith.constant 48 : index
        %swap3A_262 = tpu.vector_load %arg6[%swap3A_260, %swap3A_261] {strides = array<i32>} : memref<128x128xf32, #tpu.memory_space<vmem>>, vector<1x16xf32>,
        %swap3A_263 = vector.shape_cast %swap3A_262 : vector<1x16xf32> to vector<16xf32>
        %swap3A_264 = vector.shape_cast %mul3A_259 : vector<16xf32> to vector<1x16xf32>
        tpu.vector_store %arg6[%swap3A_260, %swap3A_261], %swap3A_264 {strides = array<i32>} : memref<128x128xf32, #tpu.memory_space<vmem>>, vector<1x16xf32>,
        %get3A_265 = arith.index_cast %scan3A_218 : i32 to index
        %get3A_266 = arith.constant 64 : index
        %get3A_267 = tpu.vector_load %arg6[%get3A_265, %get3A_266] {strides = array<i32>} : memref<128x128xf32, #tpu.memory_space<vmem>>, vector<1x16xf32>,
        %get3A_268 = vector.shape_cast %get3A_267 : vector<1x16xf32> to vector<16xf32>
        %mul3A_269 = arith.constant 11.3137083 : f32
        %mul3A_270 = vector.broadcast %mul3A_269 : f32 to vector<16xf32>
        %mul3A_271 = arith.mulf %get3A_268, %mul3A_270 : vector<16xf32>
        %swap3A_272 = arith.index_cast %scan3A_218 : i32 to index
        %swap3A_273 = arith.constant 64 : index
        %swap3A_274 = tpu.vector_load %arg6[%swap3A_272, %swap3A_273] {strides = array<i32>} : memref<128x128xf32, #tpu.memory_space<vmem>>, vector<1x16xf32>,
        %swap3A_275 = vector.shape_cast %swap3A_274 : vector<1x16xf32> to vector<16xf32>
        %swap3A_276 = vector.shape_cast %mul3A_271 : vector<16xf32> to vector<1x16xf32>
        tpu.vector_store %arg6[%swap3A_272, %swap3A_273], %swap3A_276 {strides = array<i32>} : memref<128x128xf32, #tpu.memory_space<vmem>>, vector<1x16xf32>,
        %get3A_277 = arith.index_cast %scan3A_218 : i32 to index
        %get3A_278 = arith.constant 80 : index
        %get3A_279 = tpu.vector_load %arg6[%get3A_277, %get3A_278] {strides = array<i32>} : memref<128x128xf32, #tpu.memory_space<vmem>>, vector<1x16xf32>,
        %get3A_280 = vector.shape_cast %get3A_279 : vector<1x16xf32> to vector<16xf32>
        %mul3A_281 = arith.constant 11.3137083 : f32
        %mul3A_282 = vector.broadcast %mul3A_281 : f32 to vector<16xf32>
        %mul3A_283 = arith.mulf %get3A_280, %mul3A_282 : vector<16xf32>
        %swap3A_284 = arith.index_cast %scan3A_218 : i32 to index
        %swap3A_285 = arith.constant 80 : index
        %swap3A_286 = tpu.vector_load %arg6[%swap3A_284, %swap3A_285] {strides = array<i32>} : memref<128x128xf32, #tpu.memory_space<vmem>>, vector<1x16xf32>,
        %swap3A_287 = vector.shape_cast %swap3A_286 : vector<1x16xf32> to vector<16xf32>
        %swap3A_288 = vector.shape_cast %mul3A_283 : vector<16xf32> to vector<1x16xf32>
        tpu.vector_store %arg6[%swap3A_284, %swap3A_285], %swap3A_288 {strides = array<i32>} : memref<128x128xf32, #tpu.memory_space<vmem>>, vector<1x16xf32>,
        %get3A_289 = arith.index_cast %scan3A_218 : i32 to index
        %get3A_290 = arith.constant 96 : index
        %get3A_291 = tpu.vector_load %arg6[%get3A_289, %get3A_290] {strides = array<i32>} : memref<128x128xf32, #tpu.memory_space<vmem>>, vector<1x16xf32>,
        %get3A_292 = vector.shape_cast %get3A_291 : vector<1x16xf32> to vector<16xf32>
        %mul3A_293 = arith.constant 11.3137083 : f32
        %mul3A_294 = vector.broadcast %mul3A_293 : f32 to vector<16xf32>
        %mul3A_295 = arith.mulf %get3A_292, %mul3A_294 : vector<16xf32>
        %swap3A_296 = arith.index_cast %scan3A_218 : i32 to index
        %swap3A_297 = arith.constant 96 : index
        %swap3A_298 = tpu.vector_load %arg6[%swap3A_296, %swap3A_297] {strides = array<i32>} : memref<128x128xf32, #tpu.memory_space<vmem>>, vector<1x16xf32>,
        %swap3A_299 = vector.shape_cast %swap3A_298 : vector<1x16xf32> to vector<16xf32>
        %swap3A_300 = vector.shape_cast %mul3A_295 : vector<16xf32> to vector<1x16xf32>
        tpu.vector_store %arg6[%swap3A_296, %swap3A_297], %swap3A_300 {strides = array<i32>} : memref<128x128xf32, #tpu.memory_space<vmem>>, vector<1x16xf32>,
        %get3A_301 = arith.index_cast %scan3A_218 : i32 to index
        %get3A_302 = arith.constant 112 : index
        %get3A_303 = tpu.vector_load %arg6[%get3A_301, %get3A_302] {strides = array<i32>} : memref<128x128xf32, #tpu.memory_space<vmem>>, vector<1x16xf32>,
        %get3A_304 = vector.shape_cast %get3A_303 : vector<1x16xf32> to vector<16xf32>
        %mul3A_305 = arith.constant 11.3137083 : f32
        %mul3A_306 = vector.broadcast %mul3A_305 : f32 to vector<16xf32>
        %mul3A_307 = arith.mulf %get3A_304, %mul3A_306 : vector<16xf32>
        %swap3A_308 = arith.index_cast %scan3A_218 : i32 to index
        %swap3A_309 = arith.constant 112 : index
        %swap3A_310 = tpu.vector_load %arg6[%swap3A_308, %swap3A_309] {strides = array<i32>} : memref<128x128xf32, #tpu.memory_space<vmem>>, vector<1x16xf32>,
        %swap3A_311 = vector.shape_cast %swap3A_310 : vector<1x16xf32> to vector<16xf32>
        %swap3A_312 = vector.shape_cast %mul3A_307 : vector<16xf32> to vector<1x16xf32>
        tpu.vector_store %arg6[%swap3A_308, %swap3A_309], %swap3A_312 {strides = array<i32>} : memref<128x128xf32, #tpu.memory_space<vmem>>, vector<1x16xf32>,
        %scan3A_313 = arith.constant 1 : i32
        %scan3A_314 = arith.addi %scan3A_218, %scan3A_313 : i32
        %get3A_315 = arith.index_cast %scan3A_314 : i32 to index
        %get3A_316 = arith.constant 0 : index
        %get3A_317 = tpu.vector_load %arg6[%get3A_315, %get3A_316] {strides = array<i32>} : memref<128x128xf32, #tpu.memory_space<vmem>>, vector<1x16xf32>,
        %get3A_318 = vector.shape_cast %get3A_317 : vector<1x16xf32> to vector<16xf32>
        %mul3A_319 = arith.constant 11.3137083 : f32
        %mul3A_320 = vector.broadcast %mul3A_319 : f32 to vector<16xf32>
        %mul3A_321 = arith.mulf %get3A_318, %mul3A_320 : vector<16xf32>
        %swap3A_322 = arith.index_cast %scan3A_314 : i32 to index
        %swap3A_323 = arith.constant 0 : index
        %swap3A_324 = tpu.vector_load %arg6[%swap3A_322, %swap3A_323] {strides = array<i32>} : memref<128x128xf32, #tpu.memory_space<vmem>>, vector<1x16xf32>,
        %swap3A_325 = vector.shape_cast %swap3A_324 : vector<1x16xf32> to vector<16xf32>
        %swap3A_326 = vector.shape_cast %mul3A_321 : vector<16xf32> to vector<1x16xf32>
        tpu.vector_store %arg6[%swap3A_322, %swap3A_323], %swap3A_326 {strides = array<i32>} : memref<128x128xf32, #tpu.memory_space<vmem>>, vector<1x16xf32>,
        %get3A_327 = arith.index_cast %scan3A_314 : i32 to index
        %get3A_328 = arith.constant 16 : index
        %get3A_329 = tpu.vector_load %arg6[%get3A_327, %get3A_328] {strides = array<i32>} : memref<128x128xf32, #tpu.memory_space<vmem>>, vector<1x16xf32>,
        %get3A_330 = vector.shape_cast %get3A_329 : vector<1x16xf32> to vector<16xf32>
        %mul3A_331 = arith.constant 11.3137083 : f32
        %mul3A_332 = vector.broadcast %mul3A_331 : f32 to vector<16xf32>
        %mul3A_333 = arith.mulf %get3A_330, %mul3A_332 : vector<16xf32>
        %swap3A_334 = arith.index_cast %scan3A_314 : i32 to index
        %swap3A_335 = arith.constant 16 : index
        %swap3A_336 = tpu.vector_load %arg6[%swap3A_334, %swap3A_335] {strides = array<i32>} : memref<128x128xf32, #tpu.memory_space<vmem>>, vector<1x16xf32>,
        %swap3A_337 = vector.shape_cast %swap3A_336 : vector<1x16xf32> to vector<16xf32>
        %swap3A_338 = vector.shape_cast %mul3A_333 : vector<16xf32> to vector<1x16xf32>
        tpu.vector_store %arg6[%swap3A_334, %swap3A_335], %swap3A_338 {strides = array<i32>} : memref<128x128xf32, #tpu.memory_space<vmem>>, vector<1x16xf32>,
        %get3A_339 = arith.index_cast %scan3A_314 : i32 to index
        %get3A_340 = arith.constant 32 : index
        %get3A_341 = tpu.vector_load %arg6[%get3A_339, %get3A_340] {strides = array<i32>} : memref<128x128xf32, #tpu.memory_space<vmem>>, vector<1x16xf32>,
        %get3A_342 = vector.shape_cast %get3A_341 : vector<1x16xf32> to vector<16xf32>
        %mul3A_343 = arith.constant 11.3137083 : f32
        %mul3A_344 = vector.broadcast %mul3A_343 : f32 to vector<16xf32>
        %mul3A_345 = arith.mulf %get3A_342, %mul3A_344 : vector<16xf32>
        %swap3A_346 = arith.index_cast %scan3A_314 : i32 to index
        %swap3A_347 = arith.constant 32 : index
        %swap3A_348 = tpu.vector_load %arg6[%swap3A_346, %swap3A_347] {strides = array<i32>} : memref<128x128xf32, #tpu.memory_space<vmem>>, vector<1x16xf32>,
        %swap3A_349 = vector.shape_cast %swap3A_348 : vector<1x16xf32> to vector<16xf32>
        %swap3A_350 = vector.shape_cast %mul3A_345 : vector<16xf32> to vector<1x16xf32>
        tpu.vector_store %arg6[%swap3A_346, %swap3A_347], %swap3A_350 {strides = array<i32>} : memref<128x128xf32, #tpu.memory_space<vmem>>, vector<1x16xf32>,
        %get3A_351 = arith.index_cast %scan3A_314 : i32 to index
        %get3A_352 = arith.constant 48 : index
        %get3A_353 = tpu.vector_load %arg6[%get3A_351, %get3A_352] {strides = array<i32>} : memref<128x128xf32, #tpu.memory_space<vmem>>, vector<1x16xf32>,
        %get3A_354 = vector.shape_cast %get3A_353 : vector<1x16xf32> to vector<16xf32>
        %mul3A_355 = arith.constant 11.3137083 : f32
        %mul3A_356 = vector.broadcast %mul3A_355 : f32 to vector<16xf32>
        %mul3A_357 = arith.mulf %get3A_354, %mul3A_356 : vector<16xf32>
        %swap3A_358 = arith.index_cast %scan3A_314 : i32 to index
        %swap3A_359 = arith.constant 48 : index
        %swap3A_360 = tpu.vector_load %arg6[%swap3A_358, %swap3A_359] {strides = array<i32>} : memref<128x128xf32, #tpu.memory_space<vmem>>, vector<1x16xf32>,
        %swap3A_361 = vector.shape_cast %swap3A_360 : vector<1x16xf32> to vector<16xf32>
        %swap3A_362 = vector.shape_cast %mul3A_357 : vector<16xf32> to vector<1x16xf32>
        tpu.vector_store %arg6[%swap3A_358, %swap3A_359], %swap3A_362 {strides = array<i32>} : memref<128x128xf32, #tpu.memory_space<vmem>>, vector<1x16xf32>,
        %get3A_363 = arith.index_cast %scan3A_314 : i32 to index
        %get3A_364 = arith.constant 64 : index
        %get3A_365 = tpu.vector_load %arg6[%get3A_363, %get3A_364] {strides = array<i32>} : memref<128x128xf32, #tpu.memory_space<vmem>>, vector<1x16xf32>,
        %get3A_366 = vector.shape_cast %get3A_365 : vector<1x16xf32> to vector<16xf32>
        %mul3A_367 = arith.constant 11.3137083 : f32
        %mul3A_368 = vector.broadcast %mul3A_367 : f32 to vector<16xf32>
        %mul3A_369 = arith.mulf %get3A_366, %mul3A_368 : vector<16xf32>
        %swap3A_370 = arith.index_cast %scan3A_314 : i32 to index
        %swap3A_371 = arith.constant 64 : index
        %swap3A_372 = tpu.vector_load %arg6[%swap3A_370, %swap3A_371] {strides = array<i32>} : memref<128x128xf32, #tpu.memory_space<vmem>>, vector<1x16xf32>,
        %swap3A_373 = vector.shape_cast %swap3A_372 : vector<1x16xf32> to vector<16xf32>
        %swap3A_374 = vector.shape_cast %mul3A_369 : vector<16xf32> to vector<1x16xf32>
        tpu.vector_store %arg6[%swap3A_370, %swap3A_371], %swap3A_374 {strides = array<i32>} : memref<128x128xf32, #tpu.memory_space<vmem>>, vector<1x16xf32>,
        %get3A_375 = arith.index_cast %scan3A_314 : i32 to index
        %get3A_376 = arith.constant 80 : index
        %get3A_377 = tpu.vector_load %arg6[%get3A_375, %get3A_376] {strides = array<i32>} : memref<128x128xf32, #tpu.memory_space<vmem>>, vector<1x16xf32>,
        %get3A_378 = vector.shape_cast %get3A_377 : vector<1x16xf32> to vector<16xf32>
        %mul3A_379 = arith.constant 11.3137083 : f32
        %mul3A_380 = vector.broadcast %mul3A_379 : f32 to vector<16xf32>
        %mul3A_381 = arith.mulf %get3A_378, %mul3A_380 : vector<16xf32>
        %swap3A_382 = arith.index_cast %scan3A_314 : i32 to index
        %swap3A_383 = arith.constant 80 : index
        %swap3A_384 = tpu.vector_load %arg6[%swap3A_382, %swap3A_383] {strides = array<i32>} : memref<128x128xf32, #tpu.memory_space<vmem>>, vector<1x16xf32>,
        %swap3A_385 = vector.shape_cast %swap3A_384 : vector<1x16xf32> to vector<16xf32>
        %swap3A_386 = vector.shape_cast %mul3A_381 : vector<16xf32> to vector<1x16xf32>
        tpu.vector_store %arg6[%swap3A_382, %swap3A_383], %swap3A_386 {strides = array<i32>} : memref<128x128xf32, #tpu.memory_space<vmem>>, vector<1x16xf32>,
        %get3A_387 = arith.index_cast %scan3A_314 : i32 to index
        %get3A_388 = arith.constant 96 : index
        %get3A_389 = tpu.vector_load %arg6[%get3A_387, %get3A_388] {strides = array<i32>} : memref<128x128xf32, #tpu.memory_space<vmem>>, vector<1x16xf32>,
        %get3A_390 = vector.shape_cast %get3A_389 : vector<1x16xf32> to vector<16xf32>
        %mul3A_391 = arith.constant 11.3137083 : f32
        %mul3A_392 = vector.broadcast %mul3A_391 : f32 to vector<16xf32>
        %mul3A_393 = arith.mulf %get3A_390, %mul3A_392 : vector<16xf32>
        %swap3A_394 = arith.index_cast %scan3A_314 : i32 to index
        %swap3A_395 = arith.constant 96 : index
        %swap3A_396 = tpu.vector_load %arg6[%swap3A_394, %swap3A_395] {strides = array<i32>} : memref<128x128xf32, #tpu.memory_space<vmem>>, vector<1x16xf32>,
        %swap3A_397 = vector.shape_cast %swap3A_396 : vector<1x16xf32> to vector<16xf32>
        %swap3A_398 = vector.shape_cast %mul3A_393 : vector<16xf32> to vector<1x16xf32>
        tpu.vector_store %arg6[%swap3A_394, %swap3A_395], %swap3A_398 {strides = array<i32>} : memref<128x128xf32, #tpu.memory_space<vmem>>, vector<1x16xf32>,
        %get3A_399 = arith.index_cast %scan3A_314 : i32 to index
        %get3A_400 = arith.constant 112 : index
        %get3A_401 = tpu.vector_load %arg6[%get3A_399, %get3A_400] {strides = array<i32>} : memref<128x128xf32, #tpu.memory_space<vmem>>, vector<1x16xf32>,
        %get3A_402 = vector.shape_cast %get3A_401 : vector<1x16xf32> to vector<16xf32>
        %mul3A_403 = arith.constant 11.3137083 : f32
        %mul3A_404 = vector.broadcast %mul3A_403 : f32 to vector<16xf32>
        %mul3A_405 = arith.mulf %get3A_402, %mul3A_404 : vector<16xf32>
        %swap3A_406 = arith.index_cast %scan3A_314 : i32 to index
        %swap3A_407 = arith.constant 112 : index
        %swap3A_408 = tpu.vector_load %arg6[%swap3A_406, %swap3A_407] {strides = array<i32>} : memref<128x128xf32, #tpu.memory_space<vmem>>, vector<1x16xf32>,
        %swap3A_409 = vector.shape_cast %swap3A_408 : vector<1x16xf32> to vector<16xf32>
        %swap3A_410 = vector.shape_cast %mul3A_405 : vector<16xf32> to vector<1x16xf32>
        tpu.vector_store %arg6[%swap3A_406, %swap3A_407], %swap3A_410 {strides = array<i32>} : memref<128x128xf32, #tpu.memory_space<vmem>>, vector<1x16xf32>,
      }
      %scan3A_85 = arith.constant 128 : i32
      %mul3A_86 = arith.constant 128 : i32
      %mul3A_87 = arith.muli %add3A_63, %mul3A_86 : i32
      %add3A_88 = arith.addi %mul3A_2, %mul3A_87 : i32
      %dma_start3A_89 = arith.constant 0 : i32
      %dma_start3A_90 = tpu.memref_slice %arg4[%add3A_88, %dma_start3A_89] : memref<819200x128xf32, #tpu.memory_space<hbm>> -> memref<128x128xf32, #tpu.memory_space<hbm>>
      %dma_start3A_91 = arith.constant 0 : i32
      %dma_start3A_92 = tpu.memref_slice %arg4[%add3A_88, %dma_start3A_91] : memref<819200x128xf32, #tpu.memory_space<hbm>> -> memref<128x128xf32, #tpu.memory_space<hbm>>
      tpu.enqueue_dma source(%arg6 : memref<128x128xf32, #tpu.memory_space<vmem>>) target(%dma_start3A_92 : memref<128x128xf32, #tpu.memory_space<hbm>>) target_semaphore(%arg16 : memref<!tpu.dma_semaphore, #tpu.memory_space<semaphore_mem>>)
      %mul3A_93 = arith.constant 5 : i32
      %mul3A_94 = arith.muli %scan3A_59, %mul3A_93 : i32
      %add3A_95 = arith.constant 1 : i32
      %add3A_96 = arith.addi %mul3A_94, %add3A_95 : i32
      %add3A_97 = arith.constant 3 : i32
      %add3A_98 = arith.addi %add3A_96, %add3A_97 : i32
      %ge3A_99 = arith.constant 1 : i32
      %ge3A_100 = arith.cmpi sge, %scan3A_59, %ge3A_99 : i32
      %convert_element_type3A_101 = arith.extui %ge3A_100 : i1 to i32
      %cond3A_102 = arith.constant 0 : i32
      %cond3A_103 = arith.cmpi ne, %convert_element_type3A_101, %cond3A_102 : i32
      scf.if %cond3A_103 {
        %sub3A = arith.constant 5 : i32
        %sub3A_218 = arith.subi %add3A_98, %sub3A : i32
        %mul3A_219 = arith.constant 128 : i32
        %mul3A_220 = arith.muli %sub3A_218, %mul3A_219 : i32
        %add3A_221 = arith.addi %mul3A_2, %mul3A_220 : i32
        %dma_wait3A_222 = arith.constant 0 : i32
        %dma_wait3A_223 = tpu.memref_slice %arg4[%add3A_221, %dma_wait3A_222] : memref<819200x128xf32, #tpu.memory_space<hbm>> -> memref<128x128xf32, #tpu.memory_space<hbm>>
        %dma_wait3A_224 = arith.constant 0 : i32
        %dma_wait3A_225 = tpu.memref_slice %arg4[%add3A_221, %dma_wait3A_224] : memref<819200x128xf32, #tpu.memory_space<hbm>> -> memref<128x128xf32, #tpu.memory_space<hbm>>
        tpu.wait_dma2 semaphore(%arg20 : memref<!tpu.dma_semaphore, #tpu.memory_space<semaphore_mem>>) src(%arg10 : memref<128x128xf32, #tpu.memory_space<vmem>>) dst(%dma_wait3A_225 : memref<128x128xf32, #tpu.memory_space<hbm>>)
      } else {
      }
      %dma_start3A_104 = arith.constant 0 : i32
      %dma_start3A_105 = tpu.memref_slice %arg5[%add3A_98, %dma_start3A_104] : memref<200x128xi32, #tpu.memory_space<vmem>> -> memref<1x128xi32, #tpu.memory_space<vmem>>
      %dma_start3A_106 = tpu.memref_squeeze %dma_start3A_105 : memref<1x128xi32, #tpu.memory_space<vmem>> -> memref<128xi32, #tpu.memory_space<vmem>>
      %dma_start3A_107 = arith.constant 0 : i32
      %dma_start3A_108 = arith.constant 0 : i32
      %dma_start3A_109 = tpu.memref_slice %arg3[%dma_start3A_107, %dma_start3A_108] : memref<1000000x128xf32, #tpu.memory_space<hbm>> -> memref<1000000x128xf32, #tpu.memory_space<hbm>>
      tpu.enqueue_indirect_dma source(%dma_start3A_109 : memref<1000000x128xf32, #tpu.memory_space<hbm>>) target(%arg10 : memref<128x128xf32, #tpu.memory_space<vmem>>) offsets(%dma_start3A_106 : memref<128xi32, #tpu.memory_space<vmem>>) semaphore(%arg15 : memref<!tpu.dma_semaphore, #tpu.memory_space<semaphore_mem>>)
      %dma_wait3A_110 = arith.constant 0 : i32
      %dma_wait3A_111 = tpu.memref_slice %arg5[%add3A_96, %dma_wait3A_110] : memref<200x128xi32, #tpu.memory_space<vmem>> -> memref<1x128xi32, #tpu.memory_space<vmem>>
      %dma_wait3A_112 = tpu.memref_squeeze %dma_wait3A_111 : memref<1x128xi32, #tpu.memory_space<vmem>> -> memref<128xi32, #tpu.memory_space<vmem>>
      %dma_wait3A_113 = arith.constant 0 : i32
      %dma_wait3A_114 = arith.constant 0 : i32
      %dma_wait3A_115 = tpu.memref_slice %arg3[%dma_wait3A_113, %dma_wait3A_114] : memref<1000000x128xf32, #tpu.memory_space<hbm>> -> memref<1000000x128xf32, #tpu.memory_space<hbm>>
      tpu.wait_indirect_dma semaphore(%arg12 : memref<!tpu.dma_semaphore, #tpu.memory_space<semaphore_mem>>) src(%dma_wait3A_115 : memref<1000000x128xf32, #tpu.memory_space<hbm>>) dst(%arg7 : memref<128x128xf32, #tpu.memory_space<vmem>>)
      %scan3A_116 = arith.constant 0 : i32
      %scan3A_117 = arith.constant 0 : i32
      %scan3A_118 = arith.constant 128 : i32
      %scan3A_119 = arith.addi %scan3A_117, %scan3A_118 : i32
      %scan3A_120 = arith.constant 2 : i32
      scf.for %scan3A_218 = %scan3A_117 to %scan3A_119 step %scan3A_120  : i32 {
        %get3A = arith.index_cast %scan3A_218 : i32 to index
        %get3A_219 = arith.constant 0 : index
        %get3A_220 = tpu.vector_load %arg7[%get3A, %get3A_219] {strides = array<i32>} : memref<128x128xf32, #tpu.memory_space<vmem>>, vector<1x16xf32>,
        %get3A_221 = vector.shape_cast %get3A_220 : vector<1x16xf32> to vector<16xf32>
        %mul3A_222 = arith.constant 11.3137083 : f32
        %mul3A_223 = vector.broadcast %mul3A_222 : f32 to vector<16xf32>
        %mul3A_224 = arith.mulf %get3A_221, %mul3A_223 : vector<16xf32>
        %swap3A = arith.index_cast %scan3A_218 : i32 to index
        %swap3A_225 = arith.constant 0 : index
        %swap3A_226 = tpu.vector_load %arg7[%swap3A, %swap3A_225] {strides = array<i32>} : memref<128x128xf32, #tpu.memory_space<vmem>>, vector<1x16xf32>,
        %swap3A_227 = vector.shape_cast %swap3A_226 : vector<1x16xf32> to vector<16xf32>
        %swap3A_228 = vector.shape_cast %mul3A_224 : vector<16xf32> to vector<1x16xf32>
        tpu.vector_store %arg7[%swap3A, %swap3A_225], %swap3A_228 {strides = array<i32>} : memref<128x128xf32, #tpu.memory_space<vmem>>, vector<1x16xf32>,
        %get3A_229 = arith.index_cast %scan3A_218 : i32 to index
        %get3A_230 = arith.constant 16 : index
        %get3A_231 = tpu.vector_load %arg7[%get3A_229, %get3A_230] {strides = array<i32>} : memref<128x128xf32, #tpu.memory_space<vmem>>, vector<1x16xf32>,
        %get3A_232 = vector.shape_cast %get3A_231 : vector<1x16xf32> to vector<16xf32>
        %mul3A_233 = arith.constant 11.3137083 : f32
        %mul3A_234 = vector.broadcast %mul3A_233 : f32 to vector<16xf32>
        %mul3A_235 = arith.mulf %get3A_232, %mul3A_234 : vector<16xf32>
        %swap3A_236 = arith.index_cast %scan3A_218 : i32 to index
        %swap3A_237 = arith.constant 16 : index
        %swap3A_238 = tpu.vector_load %arg7[%swap3A_236, %swap3A_237] {strides = array<i32>} : memref<128x128xf32, #tpu.memory_space<vmem>>, vector<1x16xf32>,
        %swap3A_239 = vector.shape_cast %swap3A_238 : vector<1x16xf32> to vector<16xf32>
        %swap3A_240 = vector.shape_cast %mul3A_235 : vector<16xf32> to vector<1x16xf32>
        tpu.vector_store %arg7[%swap3A_236, %swap3A_237], %swap3A_240 {strides = array<i32>} : memref<128x128xf32, #tpu.memory_space<vmem>>, vector<1x16xf32>,
        %get3A_241 = arith.index_cast %scan3A_218 : i32 to index
        %get3A_242 = arith.constant 32 : index
        %get3A_243 = tpu.vector_load %arg7[%get3A_241, %get3A_242] {strides = array<i32>} : memref<128x128xf32, #tpu.memory_space<vmem>>, vector<1x16xf32>,
        %get3A_244 = vector.shape_cast %get3A_243 : vector<1x16xf32> to vector<16xf32>
        %mul3A_245 = arith.constant 11.3137083 : f32
        %mul3A_246 = vector.broadcast %mul3A_245 : f32 to vector<16xf32>
        %mul3A_247 = arith.mulf %get3A_244, %mul3A_246 : vector<16xf32>
        %swap3A_248 = arith.index_cast %scan3A_218 : i32 to index
        %swap3A_249 = arith.constant 32 : index
        %swap3A_250 = tpu.vector_load %arg7[%swap3A_248, %swap3A_249] {strides = array<i32>} : memref<128x128xf32, #tpu.memory_space<vmem>>, vector<1x16xf32>,
        %swap3A_251 = vector.shape_cast %swap3A_250 : vector<1x16xf32> to vector<16xf32>
        %swap3A_252 = vector.shape_cast %mul3A_247 : vector<16xf32> to vector<1x16xf32>
        tpu.vector_store %arg7[%swap3A_248, %swap3A_249], %swap3A_252 {strides = array<i32>} : memref<128x128xf32, #tpu.memory_space<vmem>>, vector<1x16xf32>,
        %get3A_253 = arith.index_cast %scan3A_218 : i32 to index
        %get3A_254 = arith.constant 48 : index
        %get3A_255 = tpu.vector_load %arg7[%get3A_253, %get3A_254] {strides = array<i32>} : memref<128x128xf32, #tpu.memory_space<vmem>>, vector<1x16xf32>,
        %get3A_256 = vector.shape_cast %get3A_255 : vector<1x16xf32> to vector<16xf32>
        %mul3A_257 = arith.constant 11.3137083 : f32
        %mul3A_258 = vector.broadcast %mul3A_257 : f32 to vector<16xf32>
        %mul3A_259 = arith.mulf %get3A_256, %mul3A_258 : vector<16xf32>
        %swap3A_260 = arith.index_cast %scan3A_218 : i32 to index
        %swap3A_261 = arith.constant 48 : index
        %swap3A_262 = tpu.vector_load %arg7[%swap3A_260, %swap3A_261] {strides = array<i32>} : memref<128x128xf32, #tpu.memory_space<vmem>>, vector<1x16xf32>,
        %swap3A_263 = vector.shape_cast %swap3A_262 : vector<1x16xf32> to vector<16xf32>
        %swap3A_264 = vector.shape_cast %mul3A_259 : vector<16xf32> to vector<1x16xf32>
        tpu.vector_store %arg7[%swap3A_260, %swap3A_261], %swap3A_264 {strides = array<i32>} : memref<128x128xf32, #tpu.memory_space<vmem>>, vector<1x16xf32>,
        %get3A_265 = arith.index_cast %scan3A_218 : i32 to index
        %get3A_266 = arith.constant 64 : index
        %get3A_267 = tpu.vector_load %arg7[%get3A_265, %get3A_266] {strides = array<i32>} : memref<128x128xf32, #tpu.memory_space<vmem>>, vector<1x16xf32>,
        %get3A_268 = vector.shape_cast %get3A_267 : vector<1x16xf32> to vector<16xf32>
        %mul3A_269 = arith.constant 11.3137083 : f32
        %mul3A_270 = vector.broadcast %mul3A_269 : f32 to vector<16xf32>
        %mul3A_271 = arith.mulf %get3A_268, %mul3A_270 : vector<16xf32>
        %swap3A_272 = arith.index_cast %scan3A_218 : i32 to index
        %swap3A_273 = arith.constant 64 : index
        %swap3A_274 = tpu.vector_load %arg7[%swap3A_272, %swap3A_273] {strides = array<i32>} : memref<128x128xf32, #tpu.memory_space<vmem>>, vector<1x16xf32>,
        %swap3A_275 = vector.shape_cast %swap3A_274 : vector<1x16xf32> to vector<16xf32>
        %swap3A_276 = vector.shape_cast %mul3A_271 : vector<16xf32> to vector<1x16xf32>
        tpu.vector_store %arg7[%swap3A_272, %swap3A_273], %swap3A_276 {strides = array<i32>} : memref<128x128xf32, #tpu.memory_space<vmem>>, vector<1x16xf32>,
        %get3A_277 = arith.index_cast %scan3A_218 : i32 to index
        %get3A_278 = arith.constant 80 : index
        %get3A_279 = tpu.vector_load %arg7[%get3A_277, %get3A_278] {strides = array<i32>} : memref<128x128xf32, #tpu.memory_space<vmem>>, vector<1x16xf32>,
        %get3A_280 = vector.shape_cast %get3A_279 : vector<1x16xf32> to vector<16xf32>
        %mul3A_281 = arith.constant 11.3137083 : f32
        %mul3A_282 = vector.broadcast %mul3A_281 : f32 to vector<16xf32>
        %mul3A_283 = arith.mulf %get3A_280, %mul3A_282 : vector<16xf32>
        %swap3A_284 = arith.index_cast %scan3A_218 : i32 to index
        %swap3A_285 = arith.constant 80 : index
        %swap3A_286 = tpu.vector_load %arg7[%swap3A_284, %swap3A_285] {strides = array<i32>} : memref<128x128xf32, #tpu.memory_space<vmem>>, vector<1x16xf32>,
        %swap3A_287 = vector.shape_cast %swap3A_286 : vector<1x16xf32> to vector<16xf32>
        %swap3A_288 = vector.shape_cast %mul3A_283 : vector<16xf32> to vector<1x16xf32>
        tpu.vector_store %arg7[%swap3A_284, %swap3A_285], %swap3A_288 {strides = array<i32>} : memref<128x128xf32, #tpu.memory_space<vmem>>, vector<1x16xf32>,
        %get3A_289 = arith.index_cast %scan3A_218 : i32 to index
        %get3A_290 = arith.constant 96 : index
        %get3A_291 = tpu.vector_load %arg7[%get3A_289, %get3A_290] {strides = array<i32>} : memref<128x128xf32, #tpu.memory_space<vmem>>, vector<1x16xf32>,
        %get3A_292 = vector.shape_cast %get3A_291 : vector<1x16xf32> to vector<16xf32>
        %mul3A_293 = arith.constant 11.3137083 : f32
        %mul3A_294 = vector.broadcast %mul3A_293 : f32 to vector<16xf32>
        %mul3A_295 = arith.mulf %get3A_292, %mul3A_294 : vector<16xf32>
        %swap3A_296 = arith.index_cast %scan3A_218 : i32 to index
        %swap3A_297 = arith.constant 96 : index
        %swap3A_298 = tpu.vector_load %arg7[%swap3A_296, %swap3A_297] {strides = array<i32>} : memref<128x128xf32, #tpu.memory_space<vmem>>, vector<1x16xf32>,
        %swap3A_299 = vector.shape_cast %swap3A_298 : vector<1x16xf32> to vector<16xf32>
        %swap3A_300 = vector.shape_cast %mul3A_295 : vector<16xf32> to vector<1x16xf32>
        tpu.vector_store %arg7[%swap3A_296, %swap3A_297], %swap3A_300 {strides = array<i32>} : memref<128x128xf32, #tpu.memory_space<vmem>>, vector<1x16xf32>,
        %get3A_301 = arith.index_cast %scan3A_218 : i32 to index
        %get3A_302 = arith.constant 112 : index
        %get3A_303 = tpu.vector_load %arg7[%get3A_301, %get3A_302] {strides = array<i32>} : memref<128x128xf32, #tpu.memory_space<vmem>>, vector<1x16xf32>,
        %get3A_304 = vector.shape_cast %get3A_303 : vector<1x16xf32> to vector<16xf32>
        %mul3A_305 = arith.constant 11.3137083 : f32
        %mul3A_306 = vector.broadcast %mul3A_305 : f32 to vector<16xf32>
        %mul3A_307 = arith.mulf %get3A_304, %mul3A_306 : vector<16xf32>
        %swap3A_308 = arith.index_cast %scan3A_218 : i32 to index
        %swap3A_309 = arith.constant 112 : index
        %swap3A_310 = tpu.vector_load %arg7[%swap3A_308, %swap3A_309] {strides = array<i32>} : memref<128x128xf32, #tpu.memory_space<vmem>>, vector<1x16xf32>,
        %swap3A_311 = vector.shape_cast %swap3A_310 : vector<1x16xf32> to vector<16xf32>
        %swap3A_312 = vector.shape_cast %mul3A_307 : vector<16xf32> to vector<1x16xf32>
        tpu.vector_store %arg7[%swap3A_308, %swap3A_309], %swap3A_312 {strides = array<i32>} : memref<128x128xf32, #tpu.memory_space<vmem>>, vector<1x16xf32>,
        %scan3A_313 = arith.constant 1 : i32
        %scan3A_314 = arith.addi %scan3A_218, %scan3A_313 : i32
        %get3A_315 = arith.index_cast %scan3A_314 : i32 to index
        %get3A_316 = arith.constant 0 : index
        %get3A_317 = tpu.vector_load %arg7[%get3A_315, %get3A_316] {strides = array<i32>} : memref<128x128xf32, #tpu.memory_space<vmem>>, vector<1x16xf32>,
        %get3A_318 = vector.shape_cast %get3A_317 : vector<1x16xf32> to vector<16xf32>
        %mul3A_319 = arith.constant 11.3137083 : f32
        %mul3A_320 = vector.broadcast %mul3A_319 : f32 to vector<16xf32>
        %mul3A_321 = arith.mulf %get3A_318, %mul3A_320 : vector<16xf32>
        %swap3A_322 = arith.index_cast %scan3A_314 : i32 to index
        %swap3A_323 = arith.constant 0 : index
        %swap3A_324 = tpu.vector_load %arg7[%swap3A_322, %swap3A_323] {strides = array<i32>} : memref<128x128xf32, #tpu.memory_space<vmem>>, vector<1x16xf32>,
        %swap3A_325 = vector.shape_cast %swap3A_324 : vector<1x16xf32> to vector<16xf32>
        %swap3A_326 = vector.shape_cast %mul3A_321 : vector<16xf32> to vector<1x16xf32>
        tpu.vector_store %arg7[%swap3A_322, %swap3A_323], %swap3A_326 {strides = array<i32>} : memref<128x128xf32, #tpu.memory_space<vmem>>, vector<1x16xf32>,
        %get3A_327 = arith.index_cast %scan3A_314 : i32 to index
        %get3A_328 = arith.constant 16 : index
        %get3A_329 = tpu.vector_load %arg7[%get3A_327, %get3A_328] {strides = array<i32>} : memref<128x128xf32, #tpu.memory_space<vmem>>, vector<1x16xf32>,
        %get3A_330 = vector.shape_cast %get3A_329 : vector<1x16xf32> to vector<16xf32>
        %mul3A_331 = arith.constant 11.3137083 : f32
        %mul3A_332 = vector.broadcast %mul3A_331 : f32 to vector<16xf32>
        %mul3A_333 = arith.mulf %get3A_330, %mul3A_332 : vector<16xf32>
        %swap3A_334 = arith.index_cast %scan3A_314 : i32 to index
        %swap3A_335 = arith.constant 16 : index
        %swap3A_336 = tpu.vector_load %arg7[%swap3A_334, %swap3A_335] {strides = array<i32>} : memref<128x128xf32, #tpu.memory_space<vmem>>, vector<1x16xf32>,
        %swap3A_337 = vector.shape_cast %swap3A_336 : vector<1x16xf32> to vector<16xf32>
        %swap3A_338 = vector.shape_cast %mul3A_333 : vector<16xf32> to vector<1x16xf32>
        tpu.vector_store %arg7[%swap3A_334, %swap3A_335], %swap3A_338 {strides = array<i32>} : memref<128x128xf32, #tpu.memory_space<vmem>>, vector<1x16xf32>,
        %get3A_339 = arith.index_cast %scan3A_314 : i32 to index
        %get3A_340 = arith.constant 32 : index
        %get3A_341 = tpu.vector_load %arg7[%get3A_339, %get3A_340] {strides = array<i32>} : memref<128x128xf32, #tpu.memory_space<vmem>>, vector<1x16xf32>,
        %get3A_342 = vector.shape_cast %get3A_341 : vector<1x16xf32> to vector<16xf32>
        %mul3A_343 = arith.constant 11.3137083 : f32
        %mul3A_344 = vector.broadcast %mul3A_343 : f32 to vector<16xf32>
        %mul3A_345 = arith.mulf %get3A_342, %mul3A_344 : vector<16xf32>
        %swap3A_346 = arith.index_cast %scan3A_314 : i32 to index
        %swap3A_347 = arith.constant 32 : index
        %swap3A_348 = tpu.vector_load %arg7[%swap3A_346, %swap3A_347] {strides = array<i32>} : memref<128x128xf32, #tpu.memory_space<vmem>>, vector<1x16xf32>,
        %swap3A_349 = vector.shape_cast %swap3A_348 : vector<1x16xf32> to vector<16xf32>
        %swap3A_350 = vector.shape_cast %mul3A_345 : vector<16xf32> to vector<1x16xf32>
        tpu.vector_store %arg7[%swap3A_346, %swap3A_347], %swap3A_350 {strides = array<i32>} : memref<128x128xf32, #tpu.memory_space<vmem>>, vector<1x16xf32>,
        %get3A_351 = arith.index_cast %scan3A_314 : i32 to index
        %get3A_352 = arith.constant 48 : index
        %get3A_353 = tpu.vector_load %arg7[%get3A_351, %get3A_352] {strides = array<i32>} : memref<128x128xf32, #tpu.memory_space<vmem>>, vector<1x16xf32>,
        %get3A_354 = vector.shape_cast %get3A_353 : vector<1x16xf32> to vector<16xf32>
        %mul3A_355 = arith.constant 11.3137083 : f32
        %mul3A_356 = vector.broadcast %mul3A_355 : f32 to vector<16xf32>
        %mul3A_357 = arith.mulf %get3A_354, %mul3A_356 : vector<16xf32>
        %swap3A_358 = arith.index_cast %scan3A_314 : i32 to index
        %swap3A_359 = arith.constant 48 : index
        %swap3A_360 = tpu.vector_load %arg7[%swap3A_358, %swap3A_359] {strides = array<i32>} : memref<128x128xf32, #tpu.memory_space<vmem>>, vector<1x16xf32>,
        %swap3A_361 = vector.shape_cast %swap3A_360 : vector<1x16xf32> to vector<16xf32>
        %swap3A_362 = vector.shape_cast %mul3A_357 : vector<16xf32> to vector<1x16xf32>
        tpu.vector_store %arg7[%swap3A_358, %swap3A_359], %swap3A_362 {strides = array<i32>} : memref<128x128xf32, #tpu.memory_space<vmem>>, vector<1x16xf32>,
        %get3A_363 = arith.index_cast %scan3A_314 : i32 to index
        %get3A_364 = arith.constant 64 : index
        %get3A_365 = tpu.vector_load %arg7[%get3A_363, %get3A_364] {strides = array<i32>} : memref<128x128xf32, #tpu.memory_space<vmem>>, vector<1x16xf32>,
        %get3A_366 = vector.shape_cast %get3A_365 : vector<1x16xf32> to vector<16xf32>
        %mul3A_367 = arith.constant 11.3137083 : f32
        %mul3A_368 = vector.broadcast %mul3A_367 : f32 to vector<16xf32>
        %mul3A_369 = arith.mulf %get3A_366, %mul3A_368 : vector<16xf32>
        %swap3A_370 = arith.index_cast %scan3A_314 : i32 to index
        %swap3A_371 = arith.constant 64 : index
        %swap3A_372 = tpu.vector_load %arg7[%swap3A_370, %swap3A_371] {strides = array<i32>} : memref<128x128xf32, #tpu.memory_space<vmem>>, vector<1x16xf32>,
        %swap3A_373 = vector.shape_cast %swap3A_372 : vector<1x16xf32> to vector<16xf32>
        %swap3A_374 = vector.shape_cast %mul3A_369 : vector<16xf32> to vector<1x16xf32>
        tpu.vector_store %arg7[%swap3A_370, %swap3A_371], %swap3A_374 {strides = array<i32>} : memref<128x128xf32, #tpu.memory_space<vmem>>, vector<1x16xf32>,
        %get3A_375 = arith.index_cast %scan3A_314 : i32 to index
        %get3A_376 = arith.constant 80 : index
        %get3A_377 = tpu.vector_load %arg7[%get3A_375, %get3A_376] {strides = array<i32>} : memref<128x128xf32, #tpu.memory_space<vmem>>, vector<1x16xf32>,
        %get3A_378 = vector.shape_cast %get3A_377 : vector<1x16xf32> to vector<16xf32>
        %mul3A_379 = arith.constant 11.3137083 : f32
        %mul3A_380 = vector.broadcast %mul3A_379 : f32 to vector<16xf32>
        %mul3A_381 = arith.mulf %get3A_378, %mul3A_380 : vector<16xf32>
        %swap3A_382 = arith.index_cast %scan3A_314 : i32 to index
        %swap3A_383 = arith.constant 80 : index
        %swap3A_384 = tpu.vector_load %arg7[%swap3A_382, %swap3A_383] {strides = array<i32>} : memref<128x128xf32, #tpu.memory_space<vmem>>, vector<1x16xf32>,
        %swap3A_385 = vector.shape_cast %swap3A_384 : vector<1x16xf32> to vector<16xf32>
        %swap3A_386 = vector.shape_cast %mul3A_381 : vector<16xf32> to vector<1x16xf32>
        tpu.vector_store %arg7[%swap3A_382, %swap3A_383], %swap3A_386 {strides = array<i32>} : memref<128x128xf32, #tpu.memory_space<vmem>>, vector<1x16xf32>,
        %get3A_387 = arith.index_cast %scan3A_314 : i32 to index
        %get3A_388 = arith.constant 96 : index
        %get3A_389 = tpu.vector_load %arg7[%get3A_387, %get3A_388] {strides = array<i32>} : memref<128x128xf32, #tpu.memory_space<vmem>>, vector<1x16xf32>,
        %get3A_390 = vector.shape_cast %get3A_389 : vector<1x16xf32> to vector<16xf32>
        %mul3A_391 = arith.constant 11.3137083 : f32
        %mul3A_392 = vector.broadcast %mul3A_391 : f32 to vector<16xf32>
        %mul3A_393 = arith.mulf %get3A_390, %mul3A_392 : vector<16xf32>
        %swap3A_394 = arith.index_cast %scan3A_314 : i32 to index
        %swap3A_395 = arith.constant 96 : index
        %swap3A_396 = tpu.vector_load %arg7[%swap3A_394, %swap3A_395] {strides = array<i32>} : memref<128x128xf32, #tpu.memory_space<vmem>>, vector<1x16xf32>,
        %swap3A_397 = vector.shape_cast %swap3A_396 : vector<1x16xf32> to vector<16xf32>
        %swap3A_398 = vector.shape_cast %mul3A_393 : vector<16xf32> to vector<1x16xf32>
        tpu.vector_store %arg7[%swap3A_394, %swap3A_395], %swap3A_398 {strides = array<i32>} : memref<128x128xf32, #tpu.memory_space<vmem>>, vector<1x16xf32>,
        %get3A_399 = arith.index_cast %scan3A_314 : i32 to index
        %get3A_400 = arith.constant 112 : index
        %get3A_401 = tpu.vector_load %arg7[%get3A_399, %get3A_400] {strides = array<i32>} : memref<128x128xf32, #tpu.memory_space<vmem>>, vector<1x16xf32>,
        %get3A_402 = vector.shape_cast %get3A_401 : vector<1x16xf32> to vector<16xf32>
        %mul3A_403 = arith.constant 11.3137083 : f32
        %mul3A_404 = vector.broadcast %mul3A_403 : f32 to vector<16xf32>
        %mul3A_405 = arith.mulf %get3A_402, %mul3A_404 : vector<16xf32>
        %swap3A_406 = arith.index_cast %scan3A_314 : i32 to index
        %swap3A_407 = arith.constant 112 : index
        %swap3A_408 = tpu.vector_load %arg7[%swap3A_406, %swap3A_407] {strides = array<i32>} : memref<128x128xf32, #tpu.memory_space<vmem>>, vector<1x16xf32>,
        %swap3A_409 = vector.shape_cast %swap3A_408 : vector<1x16xf32> to vector<16xf32>
        %swap3A_410 = vector.shape_cast %mul3A_405 : vector<16xf32> to vector<1x16xf32>
        tpu.vector_store %arg7[%swap3A_406, %swap3A_407], %swap3A_410 {strides = array<i32>} : memref<128x128xf32, #tpu.memory_space<vmem>>, vector<1x16xf32>,
      }
      %scan3A_121 = arith.constant 128 : i32
      %mul3A_122 = arith.constant 128 : i32
      %mul3A_123 = arith.muli %add3A_96, %mul3A_122 : i32
      %add3A_124 = arith.addi %mul3A_2, %mul3A_123 : i32
      %dma_start3A_125 = arith.constant 0 : i32
      %dma_start3A_126 = tpu.memref_slice %arg4[%add3A_124, %dma_start3A_125] : memref<819200x128xf32, #tpu.memory_space<hbm>> -> memref<128x128xf32, #tpu.memory_space<hbm>>
      %dma_start3A_127 = arith.constant 0 : i32
      %dma_start3A_128 = tpu.memref_slice %arg4[%add3A_124, %dma_start3A_127] : memref<819200x128xf32, #tpu.memory_space<hbm>> -> memref<128x128xf32, #tpu.memory_space<hbm>>
      tpu.enqueue_dma source(%arg7 : memref<128x128xf32, #tpu.memory_space<vmem>>) target(%dma_start3A_128 : memref<128x128xf32, #tpu.memory_space<hbm>>) target_semaphore(%arg17 : memref<!tpu.dma_semaphore, #tpu.memory_space<semaphore_mem>>)
      %mul3A_129 = arith.constant 5 : i32
      %mul3A_130 = arith.muli %scan3A_59, %mul3A_129 : i32
      %add3A_131 = arith.constant 2 : i32
      %add3A_132 = arith.addi %mul3A_130, %add3A_131 : i32
      %add3A_133 = arith.constant 3 : i32
      %add3A_134 = arith.addi %add3A_132, %add3A_133 : i32
      %le3A = arith.constant 38 : i32
      %le3A_135 = arith.cmpi sle, %scan3A_59, %le3A : i32
      %convert_element_type3A_136 = arith.extui %le3A_135 : i1 to i32
      %cond3A_137 = arith.constant 0 : i32
      %cond3A_138 = arith.cmpi ne, %convert_element_type3A_136, %cond3A_137 : i32
      scf.if %cond3A_138 {
        %sub3A = arith.constant 5 : i32
        %sub3A_218 = arith.subi %add3A_134, %sub3A : i32
        %mul3A_219 = arith.constant 128 : i32
        %mul3A_220 = arith.muli %sub3A_218, %mul3A_219 : i32
        %add3A_221 = arith.addi %mul3A_2, %mul3A_220 : i32
        %dma_wait3A_222 = arith.constant 0 : i32
        %dma_wait3A_223 = tpu.memref_slice %arg4[%add3A_221, %dma_wait3A_222] : memref<819200x128xf32, #tpu.memory_space<hbm>> -> memref<128x128xf32, #tpu.memory_space<hbm>>
        %dma_wait3A_224 = arith.constant 0 : i32
        %dma_wait3A_225 = tpu.memref_slice %arg4[%add3A_221, %dma_wait3A_224] : memref<819200x128xf32, #tpu.memory_space<hbm>> -> memref<128x128xf32, #tpu.memory_space<hbm>>
        tpu.wait_dma2 semaphore(%arg16 : memref<!tpu.dma_semaphore, #tpu.memory_space<semaphore_mem>>) src(%arg6 : memref<128x128xf32, #tpu.memory_space<vmem>>) dst(%dma_wait3A_225 : memref<128x128xf32, #tpu.memory_space<hbm>>)
        %dma_start3A_226 = arith.constant 0 : i32
        %dma_start3A_227 = tpu.memref_slice %arg5[%add3A_134, %dma_start3A_226] : memref<200x128xi32, #tpu.memory_space<vmem>> -> memref<1x128xi32, #tpu.memory_space<vmem>>
        %dma_start3A_228 = tpu.memref_squeeze %dma_start3A_227 : memref<1x128xi32, #tpu.memory_space<vmem>> -> memref<128xi32, #tpu.memory_space<vmem>>
        %dma_start3A_229 = arith.constant 0 : i32
        %dma_start3A_230 = arith.constant 0 : i32
        %dma_start3A_231 = tpu.memref_slice %arg3[%dma_start3A_229, %dma_start3A_230] : memref<1000000x128xf32, #tpu.memory_space<hbm>> -> memref<1000000x128xf32, #tpu.memory_space<hbm>>
        tpu.enqueue_indirect_dma source(%dma_start3A_231 : memref<1000000x128xf32, #tpu.memory_space<hbm>>) target(%arg6 : memref<128x128xf32, #tpu.memory_space<vmem>>) offsets(%dma_start3A_228 : memref<128xi32, #tpu.memory_space<vmem>>) semaphore(%arg11 : memref<!tpu.dma_semaphore, #tpu.memory_space<semaphore_mem>>)
      } else {
      }
      %dma_wait3A_139 = arith.constant 0 : i32
      %dma_wait3A_140 = tpu.memref_slice %arg5[%add3A_132, %dma_wait3A_139] : memref<200x128xi32, #tpu.memory_space<vmem>> -> memref<1x128xi32, #tpu.memory_space<vmem>>
      %dma_wait3A_141 = tpu.memref_squeeze %dma_wait3A_140 : memref<1x128xi32, #tpu.memory_space<vmem>> -> memref<128xi32, #tpu.memory_space<vmem>>
      %dma_wait3A_142 = arith.constant 0 : i32
      %dma_wait3A_143 = arith.constant 0 : i32
      %dma_wait3A_144 = tpu.memref_slice %arg3[%dma_wait3A_142, %dma_wait3A_143] : memref<1000000x128xf32, #tpu.memory_space<hbm>> -> memref<1000000x128xf32, #tpu.memory_space<hbm>>
      tpu.wait_indirect_dma semaphore(%arg13 : memref<!tpu.dma_semaphore, #tpu.memory_space<semaphore_mem>>) src(%dma_wait3A_144 : memref<1000000x128xf32, #tpu.memory_space<hbm>>) dst(%arg8 : memref<128x128xf32, #tpu.memory_space<vmem>>)
      %scan3A_145 = arith.constant 0 : i32
      %scan3A_146 = arith.constant 0 : i32
      %scan3A_147 = arith.constant 128 : i32
      %scan3A_148 = arith.addi %scan3A_146, %scan3A_147 : i32
      %scan3A_149 = arith.constant 2 : i32
      scf.for %scan3A_218 = %scan3A_146 to %scan3A_148 step %scan3A_149  : i32 {
        %get3A = arith.index_cast %scan3A_218 : i32 to index
        %get3A_219 = arith.constant 0 : index
        %get3A_220 = tpu.vector_load %arg8[%get3A, %get3A_219] {strides = array<i32>} : memref<128x128xf32, #tpu.memory_space<vmem>>, vector<1x16xf32>,
        %get3A_221 = vector.shape_cast %get3A_220 : vector<1x16xf32> to vector<16xf32>
        %mul3A_222 = arith.constant 11.3137083 : f32
        %mul3A_223 = vector.broadcast %mul3A_222 : f32 to vector<16xf32>
        %mul3A_224 = arith.mulf %get3A_221, %mul3A_223 : vector<16xf32>
        %swap3A = arith.index_cast %scan3A_218 : i32 to index
        %swap3A_225 = arith.constant 0 : index
        %swap3A_226 = tpu.vector_load %arg8[%swap3A, %swap3A_225] {strides = array<i32>} : memref<128x128xf32, #tpu.memory_space<vmem>>, vector<1x16xf32>,
        %swap3A_227 = vector.shape_cast %swap3A_226 : vector<1x16xf32> to vector<16xf32>
        %swap3A_228 = vector.shape_cast %mul3A_224 : vector<16xf32> to vector<1x16xf32>
        tpu.vector_store %arg8[%swap3A, %swap3A_225], %swap3A_228 {strides = array<i32>} : memref<128x128xf32, #tpu.memory_space<vmem>>, vector<1x16xf32>,
        %get3A_229 = arith.index_cast %scan3A_218 : i32 to index
        %get3A_230 = arith.constant 16 : index
        %get3A_231 = tpu.vector_load %arg8[%get3A_229, %get3A_230] {strides = array<i32>} : memref<128x128xf32, #tpu.memory_space<vmem>>, vector<1x16xf32>,
        %get3A_232 = vector.shape_cast %get3A_231 : vector<1x16xf32> to vector<16xf32>
        %mul3A_233 = arith.constant 11.3137083 : f32
        %mul3A_234 = vector.broadcast %mul3A_233 : f32 to vector<16xf32>
        %mul3A_235 = arith.mulf %get3A_232, %mul3A_234 : vector<16xf32>
        %swap3A_236 = arith.index_cast %scan3A_218 : i32 to index
        %swap3A_237 = arith.constant 16 : index
        %swap3A_238 = tpu.vector_load %arg8[%swap3A_236, %swap3A_237] {strides = array<i32>} : memref<128x128xf32, #tpu.memory_space<vmem>>, vector<1x16xf32>,
        %swap3A_239 = vector.shape_cast %swap3A_238 : vector<1x16xf32> to vector<16xf32>
        %swap3A_240 = vector.shape_cast %mul3A_235 : vector<16xf32> to vector<1x16xf32>
        tpu.vector_store %arg8[%swap3A_236, %swap3A_237], %swap3A_240 {strides = array<i32>} : memref<128x128xf32, #tpu.memory_space<vmem>>, vector<1x16xf32>,
        %get3A_241 = arith.index_cast %scan3A_218 : i32 to index
        %get3A_242 = arith.constant 32 : index
        %get3A_243 = tpu.vector_load %arg8[%get3A_241, %get3A_242] {strides = array<i32>} : memref<128x128xf32, #tpu.memory_space<vmem>>, vector<1x16xf32>,
        %get3A_244 = vector.shape_cast %get3A_243 : vector<1x16xf32> to vector<16xf32>
        %mul3A_245 = arith.constant 11.3137083 : f32
        %mul3A_246 = vector.broadcast %mul3A_245 : f32 to vector<16xf32>
        %mul3A_247 = arith.mulf %get3A_244, %mul3A_246 : vector<16xf32>
        %swap3A_248 = arith.index_cast %scan3A_218 : i32 to index
        %swap3A_249 = arith.constant 32 : index
        %swap3A_250 = tpu.vector_load %arg8[%swap3A_248, %swap3A_249] {strides = array<i32>} : memref<128x128xf32, #tpu.memory_space<vmem>>, vector<1x16xf32>,
        %swap3A_251 = vector.shape_cast %swap3A_250 : vector<1x16xf32> to vector<16xf32>
        %swap3A_252 = vector.shape_cast %mul3A_247 : vector<16xf32> to vector<1x16xf32>
        tpu.vector_store %arg8[%swap3A_248, %swap3A_249], %swap3A_252 {strides = array<i32>} : memref<128x128xf32, #tpu.memory_space<vmem>>, vector<1x16xf32>,
        %get3A_253 = arith.index_cast %scan3A_218 : i32 to index
        %get3A_254 = arith.constant 48 : index
        %get3A_255 = tpu.vector_load %arg8[%get3A_253, %get3A_254] {strides = array<i32>} : memref<128x128xf32, #tpu.memory_space<vmem>>, vector<1x16xf32>,
        %get3A_256 = vector.shape_cast %get3A_255 : vector<1x16xf32> to vector<16xf32>
        %mul3A_257 = arith.constant 11.3137083 : f32
        %mul3A_258 = vector.broadcast %mul3A_257 : f32 to vector<16xf32>
        %mul3A_259 = arith.mulf %get3A_256, %mul3A_258 : vector<16xf32>
        %swap3A_260 = arith.index_cast %scan3A_218 : i32 to index
        %swap3A_261 = arith.constant 48 : index
        %swap3A_262 = tpu.vector_load %arg8[%swap3A_260, %swap3A_261] {strides = array<i32>} : memref<128x128xf32, #tpu.memory_space<vmem>>, vector<1x16xf32>,
        %swap3A_263 = vector.shape_cast %swap3A_262 : vector<1x16xf32> to vector<16xf32>
        %swap3A_264 = vector.shape_cast %mul3A_259 : vector<16xf32> to vector<1x16xf32>
        tpu.vector_store %arg8[%swap3A_260, %swap3A_261], %swap3A_264 {strides = array<i32>} : memref<128x128xf32, #tpu.memory_space<vmem>>, vector<1x16xf32>,
        %get3A_265 = arith.index_cast %scan3A_218 : i32 to index
        %get3A_266 = arith.constant 64 : index
        %get3A_267 = tpu.vector_load %arg8[%get3A_265, %get3A_266] {strides = array<i32>} : memref<128x128xf32, #tpu.memory_space<vmem>>, vector<1x16xf32>,
        %get3A_268 = vector.shape_cast %get3A_267 : vector<1x16xf32> to vector<16xf32>
        %mul3A_269 = arith.constant 11.3137083 : f32
        %mul3A_270 = vector.broadcast %mul3A_269 : f32 to vector<16xf32>
        %mul3A_271 = arith.mulf %get3A_268, %mul3A_270 : vector<16xf32>
        %swap3A_272 = arith.index_cast %scan3A_218 : i32 to index
        %swap3A_273 = arith.constant 64 : index
        %swap3A_274 = tpu.vector_load %arg8[%swap3A_272, %swap3A_273] {strides = array<i32>} : memref<128x128xf32, #tpu.memory_space<vmem>>, vector<1x16xf32>,
        %swap3A_275 = vector.shape_cast %swap3A_274 : vector<1x16xf32> to vector<16xf32>
        %swap3A_276 = vector.shape_cast %mul3A_271 : vector<16xf32> to vector<1x16xf32>
        tpu.vector_store %arg8[%swap3A_272, %swap3A_273], %swap3A_276 {strides = array<i32>} : memref<128x128xf32, #tpu.memory_space<vmem>>, vector<1x16xf32>,
        %get3A_277 = arith.index_cast %scan3A_218 : i32 to index
        %get3A_278 = arith.constant 80 : index
        %get3A_279 = tpu.vector_load %arg8[%get3A_277, %get3A_278] {strides = array<i32>} : memref<128x128xf32, #tpu.memory_space<vmem>>, vector<1x16xf32>,
        %get3A_280 = vector.shape_cast %get3A_279 : vector<1x16xf32> to vector<16xf32>
        %mul3A_281 = arith.constant 11.3137083 : f32
        %mul3A_282 = vector.broadcast %mul3A_281 : f32 to vector<16xf32>
        %mul3A_283 = arith.mulf %get3A_280, %mul3A_282 : vector<16xf32>
        %swap3A_284 = arith.index_cast %scan3A_218 : i32 to index
        %swap3A_285 = arith.constant 80 : index
        %swap3A_286 = tpu.vector_load %arg8[%swap3A_284, %swap3A_285] {strides = array<i32>} : memref<128x128xf32, #tpu.memory_space<vmem>>, vector<1x16xf32>,
        %swap3A_287 = vector.shape_cast %swap3A_286 : vector<1x16xf32> to vector<16xf32>
        %swap3A_288 = vector.shape_cast %mul3A_283 : vector<16xf32> to vector<1x16xf32>
        tpu.vector_store %arg8[%swap3A_284, %swap3A_285], %swap3A_288 {strides = array<i32>} : memref<128x128xf32, #tpu.memory_space<vmem>>, vector<1x16xf32>,
        %get3A_289 = arith.index_cast %scan3A_218 : i32 to index
        %get3A_290 = arith.constant 96 : index
        %get3A_291 = tpu.vector_load %arg8[%get3A_289, %get3A_290] {strides = array<i32>} : memref<128x128xf32, #tpu.memory_space<vmem>>, vector<1x16xf32>,
        %get3A_292 = vector.shape_cast %get3A_291 : vector<1x16xf32> to vector<16xf32>
        %mul3A_293 = arith.constant 11.3137083 : f32
        %mul3A_294 = vector.broadcast %mul3A_293 : f32 to vector<16xf32>
        %mul3A_295 = arith.mulf %get3A_292, %mul3A_294 : vector<16xf32>
        %swap3A_296 = arith.index_cast %scan3A_218 : i32 to index
        %swap3A_297 = arith.constant 96 : index
        %swap3A_298 = tpu.vector_load %arg8[%swap3A_296, %swap3A_297] {strides = array<i32>} : memref<128x128xf32, #tpu.memory_space<vmem>>, vector<1x16xf32>,
        %swap3A_299 = vector.shape_cast %swap3A_298 : vector<1x16xf32> to vector<16xf32>
        %swap3A_300 = vector.shape_cast %mul3A_295 : vector<16xf32> to vector<1x16xf32>
        tpu.vector_store %arg8[%swap3A_296, %swap3A_297], %swap3A_300 {strides = array<i32>} : memref<128x128xf32, #tpu.memory_space<vmem>>, vector<1x16xf32>,
        %get3A_301 = arith.index_cast %scan3A_218 : i32 to index
        %get3A_302 = arith.constant 112 : index
        %get3A_303 = tpu.vector_load %arg8[%get3A_301, %get3A_302] {strides = array<i32>} : memref<128x128xf32, #tpu.memory_space<vmem>>, vector<1x16xf32>,
        %get3A_304 = vector.shape_cast %get3A_303 : vector<1x16xf32> to vector<16xf32>
        %mul3A_305 = arith.constant 11.3137083 : f32
        %mul3A_306 = vector.broadcast %mul3A_305 : f32 to vector<16xf32>
        %mul3A_307 = arith.mulf %get3A_304, %mul3A_306 : vector<16xf32>
        %swap3A_308 = arith.index_cast %scan3A_218 : i32 to index
        %swap3A_309 = arith.constant 112 : index
        %swap3A_310 = tpu.vector_load %arg8[%swap3A_308, %swap3A_309] {strides = array<i32>} : memref<128x128xf32, #tpu.memory_space<vmem>>, vector<1x16xf32>,
        %swap3A_311 = vector.shape_cast %swap3A_310 : vector<1x16xf32> to vector<16xf32>
        %swap3A_312 = vector.shape_cast %mul3A_307 : vector<16xf32> to vector<1x16xf32>
        tpu.vector_store %arg8[%swap3A_308, %swap3A_309], %swap3A_312 {strides = array<i32>} : memref<128x128xf32, #tpu.memory_space<vmem>>, vector<1x16xf32>,
        %scan3A_313 = arith.constant 1 : i32
        %scan3A_314 = arith.addi %scan3A_218, %scan3A_313 : i32
        %get3A_315 = arith.index_cast %scan3A_314 : i32 to index
        %get3A_316 = arith.constant 0 : index
        %get3A_317 = tpu.vector_load %arg8[%get3A_315, %get3A_316] {strides = array<i32>} : memref<128x128xf32, #tpu.memory_space<vmem>>, vector<1x16xf32>,
        %get3A_318 = vector.shape_cast %get3A_317 : vector<1x16xf32> to vector<16xf32>
        %mul3A_319 = arith.constant 11.3137083 : f32
        %mul3A_320 = vector.broadcast %mul3A_319 : f32 to vector<16xf32>
        %mul3A_321 = arith.mulf %get3A_318, %mul3A_320 : vector<16xf32>
        %swap3A_322 = arith.index_cast %scan3A_314 : i32 to index
        %swap3A_323 = arith.constant 0 : index
        %swap3A_324 = tpu.vector_load %arg8[%swap3A_322, %swap3A_323] {strides = array<i32>} : memref<128x128xf32, #tpu.memory_space<vmem>>, vector<1x16xf32>,
        %swap3A_325 = vector.shape_cast %swap3A_324 : vector<1x16xf32> to vector<16xf32>
        %swap3A_326 = vector.shape_cast %mul3A_321 : vector<16xf32> to vector<1x16xf32>
        tpu.vector_store %arg8[%swap3A_322, %swap3A_323], %swap3A_326 {strides = array<i32>} : memref<128x128xf32, #tpu.memory_space<vmem>>, vector<1x16xf32>,
        %get3A_327 = arith.index_cast %scan3A_314 : i32 to index
        %get3A_328 = arith.constant 16 : index
        %get3A_329 = tpu.vector_load %arg8[%get3A_327, %get3A_328] {strides = array<i32>} : memref<128x128xf32, #tpu.memory_space<vmem>>, vector<1x16xf32>,
        %get3A_330 = vector.shape_cast %get3A_329 : vector<1x16xf32> to vector<16xf32>
        %mul3A_331 = arith.constant 11.3137083 : f32
        %mul3A_332 = vector.broadcast %mul3A_331 : f32 to vector<16xf32>
        %mul3A_333 = arith.mulf %get3A_330, %mul3A_332 : vector<16xf32>
        %swap3A_334 = arith.index_cast %scan3A_314 : i32 to index
        %swap3A_335 = arith.constant 16 : index
        %swap3A_336 = tpu.vector_load %arg8[%swap3A_334, %swap3A_335] {strides = array<i32>} : memref<128x128xf32, #tpu.memory_space<vmem>>, vector<1x16xf32>,
        %swap3A_337 = vector.shape_cast %swap3A_336 : vector<1x16xf32> to vector<16xf32>
        %swap3A_338 = vector.shape_cast %mul3A_333 : vector<16xf32> to vector<1x16xf32>
        tpu.vector_store %arg8[%swap3A_334, %swap3A_335], %swap3A_338 {strides = array<i32>} : memref<128x128xf32, #tpu.memory_space<vmem>>, vector<1x16xf32>,
        %get3A_339 = arith.index_cast %scan3A_314 : i32 to index
        %get3A_340 = arith.constant 32 : index
        %get3A_341 = tpu.vector_load %arg8[%get3A_339, %get3A_340] {strides = array<i32>} : memref<128x128xf32, #tpu.memory_space<vmem>>, vector<1x16xf32>,
        %get3A_342 = vector.shape_cast %get3A_341 : vector<1x16xf32> to vector<16xf32>
        %mul3A_343 = arith.constant 11.3137083 : f32
        %mul3A_344 = vector.broadcast %mul3A_343 : f32 to vector<16xf32>
        %mul3A_345 = arith.mulf %get3A_342, %mul3A_344 : vector<16xf32>
        %swap3A_346 = arith.index_cast %scan3A_314 : i32 to index
        %swap3A_347 = arith.constant 32 : index
        %swap3A_348 = tpu.vector_load %arg8[%swap3A_346, %swap3A_347] {strides = array<i32>} : memref<128x128xf32, #tpu.memory_space<vmem>>, vector<1x16xf32>,
        %swap3A_349 = vector.shape_cast %swap3A_348 : vector<1x16xf32> to vector<16xf32>
        %swap3A_350 = vector.shape_cast %mul3A_345 : vector<16xf32> to vector<1x16xf32>
        tpu.vector_store %arg8[%swap3A_346, %swap3A_347], %swap3A_350 {strides = array<i32>} : memref<128x128xf32, #tpu.memory_space<vmem>>, vector<1x16xf32>,
        %get3A_351 = arith.index_cast %scan3A_314 : i32 to index
        %get3A_352 = arith.constant 48 : index
        %get3A_353 = tpu.vector_load %arg8[%get3A_351, %get3A_352] {strides = array<i32>} : memref<128x128xf32, #tpu.memory_space<vmem>>, vector<1x16xf32>,
        %get3A_354 = vector.shape_cast %get3A_353 : vector<1x16xf32> to vector<16xf32>
        %mul3A_355 = arith.constant 11.3137083 : f32
        %mul3A_356 = vector.broadcast %mul3A_355 : f32 to vector<16xf32>
        %mul3A_357 = arith.mulf %get3A_354, %mul3A_356 : vector<16xf32>
        %swap3A_358 = arith.index_cast %scan3A_314 : i32 to index
        %swap3A_359 = arith.constant 48 : index
        %swap3A_360 = tpu.vector_load %arg8[%swap3A_358, %swap3A_359] {strides = array<i32>} : memref<128x128xf32, #tpu.memory_space<vmem>>, vector<1x16xf32>,
        %swap3A_361 = vector.shape_cast %swap3A_360 : vector<1x16xf32> to vector<16xf32>
        %swap3A_362 = vector.shape_cast %mul3A_357 : vector<16xf32> to vector<1x16xf32>
        tpu.vector_store %arg8[%swap3A_358, %swap3A_359], %swap3A_362 {strides = array<i32>} : memref<128x128xf32, #tpu.memory_space<vmem>>, vector<1x16xf32>,
        %get3A_363 = arith.index_cast %scan3A_314 : i32 to index
        %get3A_364 = arith.constant 64 : index
        %get3A_365 = tpu.vector_load %arg8[%get3A_363, %get3A_364] {strides = array<i32>} : memref<128x128xf32, #tpu.memory_space<vmem>>, vector<1x16xf32>,
        %get3A_366 = vector.shape_cast %get3A_365 : vector<1x16xf32> to vector<16xf32>
        %mul3A_367 = arith.constant 11.3137083 : f32
        %mul3A_368 = vector.broadcast %mul3A_367 : f32 to vector<16xf32>
        %mul3A_369 = arith.mulf %get3A_366, %mul3A_368 : vector<16xf32>
        %swap3A_370 = arith.index_cast %scan3A_314 : i32 to index
        %swap3A_371 = arith.constant 64 : index
        %swap3A_372 = tpu.vector_load %arg8[%swap3A_370, %swap3A_371] {strides = array<i32>} : memref<128x128xf32, #tpu.memory_space<vmem>>, vector<1x16xf32>,
        %swap3A_373 = vector.shape_cast %swap3A_372 : vector<1x16xf32> to vector<16xf32>
        %swap3A_374 = vector.shape_cast %mul3A_369 : vector<16xf32> to vector<1x16xf32>
        tpu.vector_store %arg8[%swap3A_370, %swap3A_371], %swap3A_374 {strides = array<i32>} : memref<128x128xf32, #tpu.memory_space<vmem>>, vector<1x16xf32>,
        %get3A_375 = arith.index_cast %scan3A_314 : i32 to index
        %get3A_376 = arith.constant 80 : index
        %get3A_377 = tpu.vector_load %arg8[%get3A_375, %get3A_376] {strides = array<i32>} : memref<128x128xf32, #tpu.memory_space<vmem>>, vector<1x16xf32>,
        %get3A_378 = vector.shape_cast %get3A_377 : vector<1x16xf32> to vector<16xf32>
        %mul3A_379 = arith.constant 11.3137083 : f32
        %mul3A_380 = vector.broadcast %mul3A_379 : f32 to vector<16xf32>
        %mul3A_381 = arith.mulf %get3A_378, %mul3A_380 : vector<16xf32>
        %swap3A_382 = arith.index_cast %scan3A_314 : i32 to index
        %swap3A_383 = arith.constant 80 : index
        %swap3A_384 = tpu.vector_load %arg8[%swap3A_382, %swap3A_383] {strides = array<i32>} : memref<128x128xf32, #tpu.memory_space<vmem>>, vector<1x16xf32>,
        %swap3A_385 = vector.shape_cast %swap3A_384 : vector<1x16xf32> to vector<16xf32>
        %swap3A_386 = vector.shape_cast %mul3A_381 : vector<16xf32> to vector<1x16xf32>
        tpu.vector_store %arg8[%swap3A_382, %swap3A_383], %swap3A_386 {strides = array<i32>} : memref<128x128xf32, #tpu.memory_space<vmem>>, vector<1x16xf32>,
        %get3A_387 = arith.index_cast %scan3A_314 : i32 to index
        %get3A_388 = arith.constant 96 : index
        %get3A_389 = tpu.vector_load %arg8[%get3A_387, %get3A_388] {strides = array<i32>} : memref<128x128xf32, #tpu.memory_space<vmem>>, vector<1x16xf32>,
        %get3A_390 = vector.shape_cast %get3A_389 : vector<1x16xf32> to vector<16xf32>
        %mul3A_391 = arith.constant 11.3137083 : f32
        %mul3A_392 = vector.broadcast %mul3A_391 : f32 to vector<16xf32>
        %mul3A_393 = arith.mulf %get3A_390, %mul3A_392 : vector<16xf32>
        %swap3A_394 = arith.index_cast %scan3A_314 : i32 to index
        %swap3A_395 = arith.constant 96 : index
        %swap3A_396 = tpu.vector_load %arg8[%swap3A_394, %swap3A_395] {strides = array<i32>} : memref<128x128xf32, #tpu.memory_space<vmem>>, vector<1x16xf32>,
        %swap3A_397 = vector.shape_cast %swap3A_396 : vector<1x16xf32> to vector<16xf32>
        %swap3A_398 = vector.shape_cast %mul3A_393 : vector<16xf32> to vector<1x16xf32>
        tpu.vector_store %arg8[%swap3A_394, %swap3A_395], %swap3A_398 {strides = array<i32>} : memref<128x128xf32, #tpu.memory_space<vmem>>, vector<1x16xf32>,
        %get3A_399 = arith.index_cast %scan3A_314 : i32 to index
        %get3A_400 = arith.constant 112 : index
        %get3A_401 = tpu.vector_load %arg8[%get3A_399, %get3A_400] {strides = array<i32>} : memref<128x128xf32, #tpu.memory_space<vmem>>, vector<1x16xf32>,
        %get3A_402 = vector.shape_cast %get3A_401 : vector<1x16xf32> to vector<16xf32>
        %mul3A_403 = arith.constant 11.3137083 : f32
        %mul3A_404 = vector.broadcast %mul3A_403 : f32 to vector<16xf32>
        %mul3A_405 = arith.mulf %get3A_402, %mul3A_404 : vector<16xf32>
        %swap3A_406 = arith.index_cast %scan3A_314 : i32 to index
        %swap3A_407 = arith.constant 112 : index
        %swap3A_408 = tpu.vector_load %arg8[%swap3A_406, %swap3A_407] {strides = array<i32>} : memref<128x128xf32, #tpu.memory_space<vmem>>, vector<1x16xf32>,
        %swap3A_409 = vector.shape_cast %swap3A_408 : vector<1x16xf32> to vector<16xf32>
        %swap3A_410 = vector.shape_cast %mul3A_405 : vector<16xf32> to vector<1x16xf32>
        tpu.vector_store %arg8[%swap3A_406, %swap3A_407], %swap3A_410 {strides = array<i32>} : memref<128x128xf32, #tpu.memory_space<vmem>>, vector<1x16xf32>,
      }
      %scan3A_150 = arith.constant 128 : i32
      %mul3A_151 = arith.constant 128 : i32
      %mul3A_152 = arith.muli %add3A_132, %mul3A_151 : i32
      %add3A_153 = arith.addi %mul3A_2, %mul3A_152 : i32
      %dma_start3A_154 = arith.constant 0 : i32
      %dma_start3A_155 = tpu.memref_slice %arg4[%add3A_153, %dma_start3A_154] : memref<819200x128xf32, #tpu.memory_space<hbm>> -> memref<128x128xf32, #tpu.memory_space<hbm>>
      %dma_start3A_156 = arith.constant 0 : i32
      %dma_start3A_157 = tpu.memref_slice %arg4[%add3A_153, %dma_start3A_156] : memref<819200x128xf32, #tpu.memory_space<hbm>> -> memref<128x128xf32, #tpu.memory_space<hbm>>
      tpu.enqueue_dma source(%arg8 : memref<128x128xf32, #tpu.memory_space<vmem>>) target(%dma_start3A_157 : memref<128x128xf32, #tpu.memory_space<hbm>>) target_semaphore(%arg18 : memref<!tpu.dma_semaphore, #tpu.memory_space<semaphore_mem>>)
      %mul3A_158 = arith.constant 5 : i32
      %mul3A_159 = arith.muli %scan3A_59, %mul3A_158 : i32
      %add3A_160 = arith.constant 3 : i32
      %add3A_161 = arith.addi %mul3A_159, %add3A_160 : i32
      %add3A_162 = arith.constant 3 : i32
      %add3A_163 = arith.addi %add3A_161, %add3A_162 : i32
      %le3A_164 = arith.constant 38 : i32
      %le3A_165 = arith.cmpi sle, %scan3A_59, %le3A_164 : i32
      %convert_element_type3A_166 = arith.extui %le3A_165 : i1 to i32
      %cond3A_167 = arith.constant 0 : i32
      %cond3A_168 = arith.cmpi ne, %convert_element_type3A_166, %cond3A_167 : i32
      scf.if %cond3A_168 {
        %sub3A = arith.constant 5 : i32
        %sub3A_218 = arith.subi %add3A_163, %sub3A : i32
        %mul3A_219 = arith.constant 128 : i32
        %mul3A_220 = arith.muli %sub3A_218, %mul3A_219 : i32
        %add3A_221 = arith.addi %mul3A_2, %mul3A_220 : i32
        %dma_wait3A_222 = arith.constant 0 : i32
        %dma_wait3A_223 = tpu.memref_slice %arg4[%add3A_221, %dma_wait3A_222] : memref<819200x128xf32, #tpu.memory_space<hbm>> -> memref<128x128xf32, #tpu.memory_space<hbm>>
        %dma_wait3A_224 = arith.constant 0 : i32
        %dma_wait3A_225 = tpu.memref_slice %arg4[%add3A_221, %dma_wait3A_224] : memref<819200x128xf32, #tpu.memory_space<hbm>> -> memref<128x128xf32, #tpu.memory_space<hbm>>
        tpu.wait_dma2 semaphore(%arg17 : memref<!tpu.dma_semaphore, #tpu.memory_space<semaphore_mem>>) src(%arg7 : memref<128x128xf32, #tpu.memory_space<vmem>>) dst(%dma_wait3A_225 : memref<128x128xf32, #tpu.memory_space<hbm>>)
        %dma_start3A_226 = arith.constant 0 : i32
        %dma_start3A_227 = tpu.memref_slice %arg5[%add3A_163, %dma_start3A_226] : memref<200x128xi32, #tpu.memory_space<vmem>> -> memref<1x128xi32, #tpu.memory_space<vmem>>
        %dma_start3A_228 = tpu.memref_squeeze %dma_start3A_227 : memref<1x128xi32, #tpu.memory_space<vmem>> -> memref<128xi32, #tpu.memory_space<vmem>>
        %dma_start3A_229 = arith.constant 0 : i32
        %dma_start3A_230 = arith.constant 0 : i32
        %dma_start3A_231 = tpu.memref_slice %arg3[%dma_start3A_229, %dma_start3A_230] : memref<1000000x128xf32, #tpu.memory_space<hbm>> -> memref<1000000x128xf32, #tpu.memory_space<hbm>>
        tpu.enqueue_indirect_dma source(%dma_start3A_231 : memref<1000000x128xf32, #tpu.memory_space<hbm>>) target(%arg7 : memref<128x128xf32, #tpu.memory_space<vmem>>) offsets(%dma_start3A_228 : memref<128xi32, #tpu.memory_space<vmem>>) semaphore(%arg12 : memref<!tpu.dma_semaphore, #tpu.memory_space<semaphore_mem>>)
      } else {
      }
      %dma_wait3A_169 = arith.constant 0 : i32
      %dma_wait3A_170 = tpu.memref_slice %arg5[%add3A_161, %dma_wait3A_169] : memref<200x128xi32, #tpu.memory_space<vmem>> -> memref<1x128xi32, #tpu.memory_space<vmem>>
      %dma_wait3A_171 = tpu.memref_squeeze %dma_wait3A_170 : memref<1x128xi32, #tpu.memory_space<vmem>> -> memref<128xi32, #tpu.memory_space<vmem>>
      %dma_wait3A_172 = arith.constant 0 : i32
      %dma_wait3A_173 = arith.constant 0 : i32
      %dma_wait3A_174 = tpu.memref_slice %arg3[%dma_wait3A_172, %dma_wait3A_173] : memref<1000000x128xf32, #tpu.memory_space<hbm>> -> memref<1000000x128xf32, #tpu.memory_space<hbm>>
      tpu.wait_indirect_dma semaphore(%arg14 : memref<!tpu.dma_semaphore, #tpu.memory_space<semaphore_mem>>) src(%dma_wait3A_174 : memref<1000000x128xf32, #tpu.memory_space<hbm>>) dst(%arg9 : memref<128x128xf32, #tpu.memory_space<vmem>>)
      %scan3A_175 = arith.constant 0 : i32
      %scan3A_176 = arith.constant 0 : i32
      %scan3A_177 = arith.constant 128 : i32
      %scan3A_178 = arith.addi %scan3A_176, %scan3A_177 : i32
      %scan3A_179 = arith.constant 2 : i32
      scf.for %scan3A_218 = %scan3A_176 to %scan3A_178 step %scan3A_179  : i32 {
        %get3A = arith.index_cast %scan3A_218 : i32 to index
        %get3A_219 = arith.constant 0 : index
        %get3A_220 = tpu.vector_load %arg9[%get3A, %get3A_219] {strides = array<i32>} : memref<128x128xf32, #tpu.memory_space<vmem>>, vector<1x16xf32>,
        %get3A_221 = vector.shape_cast %get3A_220 : vector<1x16xf32> to vector<16xf32>
        %mul3A_222 = arith.constant 11.3137083 : f32
        %mul3A_223 = vector.broadcast %mul3A_222 : f32 to vector<16xf32>
        %mul3A_224 = arith.mulf %get3A_221, %mul3A_223 : vector<16xf32>
        %swap3A = arith.index_cast %scan3A_218 : i32 to index
        %swap3A_225 = arith.constant 0 : index
        %swap3A_226 = tpu.vector_load %arg9[%swap3A, %swap3A_225] {strides = array<i32>} : memref<128x128xf32, #tpu.memory_space<vmem>>, vector<1x16xf32>,
        %swap3A_227 = vector.shape_cast %swap3A_226 : vector<1x16xf32> to vector<16xf32>
        %swap3A_228 = vector.shape_cast %mul3A_224 : vector<16xf32> to vector<1x16xf32>
        tpu.vector_store %arg9[%swap3A, %swap3A_225], %swap3A_228 {strides = array<i32>} : memref<128x128xf32, #tpu.memory_space<vmem>>, vector<1x16xf32>,
        %get3A_229 = arith.index_cast %scan3A_218 : i32 to index
        %get3A_230 = arith.constant 16 : index
        %get3A_231 = tpu.vector_load %arg9[%get3A_229, %get3A_230] {strides = array<i32>} : memref<128x128xf32, #tpu.memory_space<vmem>>, vector<1x16xf32>,
        %get3A_232 = vector.shape_cast %get3A_231 : vector<1x16xf32> to vector<16xf32>
        %mul3A_233 = arith.constant 11.3137083 : f32
        %mul3A_234 = vector.broadcast %mul3A_233 : f32 to vector<16xf32>
        %mul3A_235 = arith.mulf %get3A_232, %mul3A_234 : vector<16xf32>
        %swap3A_236 = arith.index_cast %scan3A_218 : i32 to index
        %swap3A_237 = arith.constant 16 : index
        %swap3A_238 = tpu.vector_load %arg9[%swap3A_236, %swap3A_237] {strides = array<i32>} : memref<128x128xf32, #tpu.memory_space<vmem>>, vector<1x16xf32>,
        %swap3A_239 = vector.shape_cast %swap3A_238 : vector<1x16xf32> to vector<16xf32>
        %swap3A_240 = vector.shape_cast %mul3A_235 : vector<16xf32> to vector<1x16xf32>
        tpu.vector_store %arg9[%swap3A_236, %swap3A_237], %swap3A_240 {strides = array<i32>} : memref<128x128xf32, #tpu.memory_space<vmem>>, vector<1x16xf32>,
        %get3A_241 = arith.index_cast %scan3A_218 : i32 to index
        %get3A_242 = arith.constant 32 : index
        %get3A_243 = tpu.vector_load %arg9[%get3A_241, %get3A_242] {strides = array<i32>} : memref<128x128xf32, #tpu.memory_space<vmem>>, vector<1x16xf32>,
        %get3A_244 = vector.shape_cast %get3A_243 : vector<1x16xf32> to vector<16xf32>
        %mul3A_245 = arith.constant 11.3137083 : f32
        %mul3A_246 = vector.broadcast %mul3A_245 : f32 to vector<16xf32>
        %mul3A_247 = arith.mulf %get3A_244, %mul3A_246 : vector<16xf32>
        %swap3A_248 = arith.index_cast %scan3A_218 : i32 to index
        %swap3A_249 = arith.constant 32 : index
        %swap3A_250 = tpu.vector_load %arg9[%swap3A_248, %swap3A_249] {strides = array<i32>} : memref<128x128xf32, #tpu.memory_space<vmem>>, vector<1x16xf32>,
        %swap3A_251 = vector.shape_cast %swap3A_250 : vector<1x16xf32> to vector<16xf32>
        %swap3A_252 = vector.shape_cast %mul3A_247 : vector<16xf32> to vector<1x16xf32>
        tpu.vector_store %arg9[%swap3A_248, %swap3A_249], %swap3A_252 {strides = array<i32>} : memref<128x128xf32, #tpu.memory_space<vmem>>, vector<1x16xf32>,
        %get3A_253 = arith.index_cast %scan3A_218 : i32 to index
        %get3A_254 = arith.constant 48 : index
        %get3A_255 = tpu.vector_load %arg9[%get3A_253, %get3A_254] {strides = array<i32>} : memref<128x128xf32, #tpu.memory_space<vmem>>, vector<1x16xf32>,
        %get3A_256 = vector.shape_cast %get3A_255 : vector<1x16xf32> to vector<16xf32>
        %mul3A_257 = arith.constant 11.3137083 : f32
        %mul3A_258 = vector.broadcast %mul3A_257 : f32 to vector<16xf32>
        %mul3A_259 = arith.mulf %get3A_256, %mul3A_258 : vector<16xf32>
        %swap3A_260 = arith.index_cast %scan3A_218 : i32 to index
        %swap3A_261 = arith.constant 48 : index
        %swap3A_262 = tpu.vector_load %arg9[%swap3A_260, %swap3A_261] {strides = array<i32>} : memref<128x128xf32, #tpu.memory_space<vmem>>, vector<1x16xf32>,
        %swap3A_263 = vector.shape_cast %swap3A_262 : vector<1x16xf32> to vector<16xf32>
        %swap3A_264 = vector.shape_cast %mul3A_259 : vector<16xf32> to vector<1x16xf32>
        tpu.vector_store %arg9[%swap3A_260, %swap3A_261], %swap3A_264 {strides = array<i32>} : memref<128x128xf32, #tpu.memory_space<vmem>>, vector<1x16xf32>,
        %get3A_265 = arith.index_cast %scan3A_218 : i32 to index
        %get3A_266 = arith.constant 64 : index
        %get3A_267 = tpu.vector_load %arg9[%get3A_265, %get3A_266] {strides = array<i32>} : memref<128x128xf32, #tpu.memory_space<vmem>>, vector<1x16xf32>,
        %get3A_268 = vector.shape_cast %get3A_267 : vector<1x16xf32> to vector<16xf32>
        %mul3A_269 = arith.constant 11.3137083 : f32
        %mul3A_270 = vector.broadcast %mul3A_269 : f32 to vector<16xf32>
        %mul3A_271 = arith.mulf %get3A_268, %mul3A_270 : vector<16xf32>
        %swap3A_272 = arith.index_cast %scan3A_218 : i32 to index
        %swap3A_273 = arith.constant 64 : index
        %swap3A_274 = tpu.vector_load %arg9[%swap3A_272, %swap3A_273] {strides = array<i32>} : memref<128x128xf32, #tpu.memory_space<vmem>>, vector<1x16xf32>,
        %swap3A_275 = vector.shape_cast %swap3A_274 : vector<1x16xf32> to vector<16xf32>
        %swap3A_276 = vector.shape_cast %mul3A_271 : vector<16xf32> to vector<1x16xf32>
        tpu.vector_store %arg9[%swap3A_272, %swap3A_273], %swap3A_276 {strides = array<i32>} : memref<128x128xf32, #tpu.memory_space<vmem>>, vector<1x16xf32>,
        %get3A_277 = arith.index_cast %scan3A_218 : i32 to index
        %get3A_278 = arith.constant 80 : index
        %get3A_279 = tpu.vector_load %arg9[%get3A_277, %get3A_278] {strides = array<i32>} : memref<128x128xf32, #tpu.memory_space<vmem>>, vector<1x16xf32>,
        %get3A_280 = vector.shape_cast %get3A_279 : vector<1x16xf32> to vector<16xf32>
        %mul3A_281 = arith.constant 11.3137083 : f32
        %mul3A_282 = vector.broadcast %mul3A_281 : f32 to vector<16xf32>
        %mul3A_283 = arith.mulf %get3A_280, %mul3A_282 : vector<16xf32>
        %swap3A_284 = arith.index_cast %scan3A_218 : i32 to index
        %swap3A_285 = arith.constant 80 : index
        %swap3A_286 = tpu.vector_load %arg9[%swap3A_284, %swap3A_285] {strides = array<i32>} : memref<128x128xf32, #tpu.memory_space<vmem>>, vector<1x16xf32>,
        %swap3A_287 = vector.shape_cast %swap3A_286 : vector<1x16xf32> to vector<16xf32>
        %swap3A_288 = vector.shape_cast %mul3A_283 : vector<16xf32> to vector<1x16xf32>
        tpu.vector_store %arg9[%swap3A_284, %swap3A_285], %swap3A_288 {strides = array<i32>} : memref<128x128xf32, #tpu.memory_space<vmem>>, vector<1x16xf32>,
        %get3A_289 = arith.index_cast %scan3A_218 : i32 to index
        %get3A_290 = arith.constant 96 : index
        %get3A_291 = tpu.vector_load %arg9[%get3A_289, %get3A_290] {strides = array<i32>} : memref<128x128xf32, #tpu.memory_space<vmem>>, vector<1x16xf32>,
        %get3A_292 = vector.shape_cast %get3A_291 : vector<1x16xf32> to vector<16xf32>
        %mul3A_293 = arith.constant 11.3137083 : f32
        %mul3A_294 = vector.broadcast %mul3A_293 : f32 to vector<16xf32>
        %mul3A_295 = arith.mulf %get3A_292, %mul3A_294 : vector<16xf32>
        %swap3A_296 = arith.index_cast %scan3A_218 : i32 to index
        %swap3A_297 = arith.constant 96 : index
        %swap3A_298 = tpu.vector_load %arg9[%swap3A_296, %swap3A_297] {strides = array<i32>} : memref<128x128xf32, #tpu.memory_space<vmem>>, vector<1x16xf32>,
        %swap3A_299 = vector.shape_cast %swap3A_298 : vector<1x16xf32> to vector<16xf32>
        %swap3A_300 = vector.shape_cast %mul3A_295 : vector<16xf32> to vector<1x16xf32>
        tpu.vector_store %arg9[%swap3A_296, %swap3A_297], %swap3A_300 {strides = array<i32>} : memref<128x128xf32, #tpu.memory_space<vmem>>, vector<1x16xf32>,
        %get3A_301 = arith.index_cast %scan3A_218 : i32 to index
        %get3A_302 = arith.constant 112 : index
        %get3A_303 = tpu.vector_load %arg9[%get3A_301, %get3A_302] {strides = array<i32>} : memref<128x128xf32, #tpu.memory_space<vmem>>, vector<1x16xf32>,
        %get3A_304 = vector.shape_cast %get3A_303 : vector<1x16xf32> to vector<16xf32>
        %mul3A_305 = arith.constant 11.3137083 : f32
        %mul3A_306 = vector.broadcast %mul3A_305 : f32 to vector<16xf32>
        %mul3A_307 = arith.mulf %get3A_304, %mul3A_306 : vector<16xf32>
        %swap3A_308 = arith.index_cast %scan3A_218 : i32 to index
        %swap3A_309 = arith.constant 112 : index
        %swap3A_310 = tpu.vector_load %arg9[%swap3A_308, %swap3A_309] {strides = array<i32>} : memref<128x128xf32, #tpu.memory_space<vmem>>, vector<1x16xf32>,
        %swap3A_311 = vector.shape_cast %swap3A_310 : vector<1x16xf32> to vector<16xf32>
        %swap3A_312 = vector.shape_cast %mul3A_307 : vector<16xf32> to vector<1x16xf32>
        tpu.vector_store %arg9[%swap3A_308, %swap3A_309], %swap3A_312 {strides = array<i32>} : memref<128x128xf32, #tpu.memory_space<vmem>>, vector<1x16xf32>,
        %scan3A_313 = arith.constant 1 : i32
        %scan3A_314 = arith.addi %scan3A_218, %scan3A_313 : i32
        %get3A_315 = arith.index_cast %scan3A_314 : i32 to index
        %get3A_316 = arith.constant 0 : index
        %get3A_317 = tpu.vector_load %arg9[%get3A_315, %get3A_316] {strides = array<i32>} : memref<128x128xf32, #tpu.memory_space<vmem>>, vector<1x16xf32>,
        %get3A_318 = vector.shape_cast %get3A_317 : vector<1x16xf32> to vector<16xf32>
        %mul3A_319 = arith.constant 11.3137083 : f32
        %mul3A_320 = vector.broadcast %mul3A_319 : f32 to vector<16xf32>
        %mul3A_321 = arith.mulf %get3A_318, %mul3A_320 : vector<16xf32>
        %swap3A_322 = arith.index_cast %scan3A_314 : i32 to index
        %swap3A_323 = arith.constant 0 : index
        %swap3A_324 = tpu.vector_load %arg9[%swap3A_322, %swap3A_323] {strides = array<i32>} : memref<128x128xf32, #tpu.memory_space<vmem>>, vector<1x16xf32>,
        %swap3A_325 = vector.shape_cast %swap3A_324 : vector<1x16xf32> to vector<16xf32>
        %swap3A_326 = vector.shape_cast %mul3A_321 : vector<16xf32> to vector<1x16xf32>
        tpu.vector_store %arg9[%swap3A_322, %swap3A_323], %swap3A_326 {strides = array<i32>} : memref<128x128xf32, #tpu.memory_space<vmem>>, vector<1x16xf32>,
        %get3A_327 = arith.index_cast %scan3A_314 : i32 to index
        %get3A_328 = arith.constant 16 : index
        %get3A_329 = tpu.vector_load %arg9[%get3A_327, %get3A_328] {strides = array<i32>} : memref<128x128xf32, #tpu.memory_space<vmem>>, vector<1x16xf32>,
        %get3A_330 = vector.shape_cast %get3A_329 : vector<1x16xf32> to vector<16xf32>
        %mul3A_331 = arith.constant 11.3137083 : f32
        %mul3A_332 = vector.broadcast %mul3A_331 : f32 to vector<16xf32>
        %mul3A_333 = arith.mulf %get3A_330, %mul3A_332 : vector<16xf32>
        %swap3A_334 = arith.index_cast %scan3A_314 : i32 to index
        %swap3A_335 = arith.constant 16 : index
        %swap3A_336 = tpu.vector_load %arg9[%swap3A_334, %swap3A_335] {strides = array<i32>} : memref<128x128xf32, #tpu.memory_space<vmem>>, vector<1x16xf32>,
        %swap3A_337 = vector.shape_cast %swap3A_336 : vector<1x16xf32> to vector<16xf32>
        %swap3A_338 = vector.shape_cast %mul3A_333 : vector<16xf32> to vector<1x16xf32>
        tpu.vector_store %arg9[%swap3A_334, %swap3A_335], %swap3A_338 {strides = array<i32>} : memref<128x128xf32, #tpu.memory_space<vmem>>, vector<1x16xf32>,
        %get3A_339 = arith.index_cast %scan3A_314 : i32 to index
        %get3A_340 = arith.constant 32 : index
        %get3A_341 = tpu.vector_load %arg9[%get3A_339, %get3A_340] {strides = array<i32>} : memref<128x128xf32, #tpu.memory_space<vmem>>, vector<1x16xf32>,
        %get3A_342 = vector.shape_cast %get3A_341 : vector<1x16xf32> to vector<16xf32>
        %mul3A_343 = arith.constant 11.3137083 : f32
        %mul3A_344 = vector.broadcast %mul3A_343 : f32 to vector<16xf32>
        %mul3A_345 = arith.mulf %get3A_342, %mul3A_344 : vector<16xf32>
        %swap3A_346 = arith.index_cast %scan3A_314 : i32 to index
        %swap3A_347 = arith.constant 32 : index
        %swap3A_348 = tpu.vector_load %arg9[%swap3A_346, %swap3A_347] {strides = array<i32>} : memref<128x128xf32, #tpu.memory_space<vmem>>, vector<1x16xf32>,
        %swap3A_349 = vector.shape_cast %swap3A_348 : vector<1x16xf32> to vector<16xf32>
        %swap3A_350 = vector.shape_cast %mul3A_345 : vector<16xf32> to vector<1x16xf32>
        tpu.vector_store %arg9[%swap3A_346, %swap3A_347], %swap3A_350 {strides = array<i32>} : memref<128x128xf32, #tpu.memory_space<vmem>>, vector<1x16xf32>,
        %get3A_351 = arith.index_cast %scan3A_314 : i32 to index
        %get3A_352 = arith.constant 48 : index
        %get3A_353 = tpu.vector_load %arg9[%get3A_351, %get3A_352] {strides = array<i32>} : memref<128x128xf32, #tpu.memory_space<vmem>>, vector<1x16xf32>,
        %get3A_354 = vector.shape_cast %get3A_353 : vector<1x16xf32> to vector<16xf32>
        %mul3A_355 = arith.constant 11.3137083 : f32
        %mul3A_356 = vector.broadcast %mul3A_355 : f32 to vector<16xf32>
        %mul3A_357 = arith.mulf %get3A_354, %mul3A_356 : vector<16xf32>
        %swap3A_358 = arith.index_cast %scan3A_314 : i32 to index
        %swap3A_359 = arith.constant 48 : index
        %swap3A_360 = tpu.vector_load %arg9[%swap3A_358, %swap3A_359] {strides = array<i32>} : memref<128x128xf32, #tpu.memory_space<vmem>>, vector<1x16xf32>,
        %swap3A_361 = vector.shape_cast %swap3A_360 : vector<1x16xf32> to vector<16xf32>
        %swap3A_362 = vector.shape_cast %mul3A_357 : vector<16xf32> to vector<1x16xf32>
        tpu.vector_store %arg9[%swap3A_358, %swap3A_359], %swap3A_362 {strides = array<i32>} : memref<128x128xf32, #tpu.memory_space<vmem>>, vector<1x16xf32>,
        %get3A_363 = arith.index_cast %scan3A_314 : i32 to index
        %get3A_364 = arith.constant 64 : index
        %get3A_365 = tpu.vector_load %arg9[%get3A_363, %get3A_364] {strides = array<i32>} : memref<128x128xf32, #tpu.memory_space<vmem>>, vector<1x16xf32>,
        %get3A_366 = vector.shape_cast %get3A_365 : vector<1x16xf32> to vector<16xf32>
        %mul3A_367 = arith.constant 11.3137083 : f32
        %mul3A_368 = vector.broadcast %mul3A_367 : f32 to vector<16xf32>
        %mul3A_369 = arith.mulf %get3A_366, %mul3A_368 : vector<16xf32>
        %swap3A_370 = arith.index_cast %scan3A_314 : i32 to index
        %swap3A_371 = arith.constant 64 : index
        %swap3A_372 = tpu.vector_load %arg9[%swap3A_370, %swap3A_371] {strides = array<i32>} : memref<128x128xf32, #tpu.memory_space<vmem>>, vector<1x16xf32>,
        %swap3A_373 = vector.shape_cast %swap3A_372 : vector<1x16xf32> to vector<16xf32>
        %swap3A_374 = vector.shape_cast %mul3A_369 : vector<16xf32> to vector<1x16xf32>
        tpu.vector_store %arg9[%swap3A_370, %swap3A_371], %swap3A_374 {strides = array<i32>} : memref<128x128xf32, #tpu.memory_space<vmem>>, vector<1x16xf32>,
        %get3A_375 = arith.index_cast %scan3A_314 : i32 to index
        %get3A_376 = arith.constant 80 : index
        %get3A_377 = tpu.vector_load %arg9[%get3A_375, %get3A_376] {strides = array<i32>} : memref<128x128xf32, #tpu.memory_space<vmem>>, vector<1x16xf32>,
        %get3A_378 = vector.shape_cast %get3A_377 : vector<1x16xf32> to vector<16xf32>
        %mul3A_379 = arith.constant 11.3137083 : f32
        %mul3A_380 = vector.broadcast %mul3A_379 : f32 to vector<16xf32>
        %mul3A_381 = arith.mulf %get3A_378, %mul3A_380 : vector<16xf32>
        %swap3A_382 = arith.index_cast %scan3A_314 : i32 to index
        %swap3A_383 = arith.constant 80 : index
        %swap3A_384 = tpu.vector_load %arg9[%swap3A_382, %swap3A_383] {strides = array<i32>} : memref<128x128xf32, #tpu.memory_space<vmem>>, vector<1x16xf32>,
        %swap3A_385 = vector.shape_cast %swap3A_384 : vector<1x16xf32> to vector<16xf32>
        %swap3A_386 = vector.shape_cast %mul3A_381 : vector<16xf32> to vector<1x16xf32>
        tpu.vector_store %arg9[%swap3A_382, %swap3A_383], %swap3A_386 {strides = array<i32>} : memref<128x128xf32, #tpu.memory_space<vmem>>, vector<1x16xf32>,
        %get3A_387 = arith.index_cast %scan3A_314 : i32 to index
        %get3A_388 = arith.constant 96 : index
        %get3A_389 = tpu.vector_load %arg9[%get3A_387, %get3A_388] {strides = array<i32>} : memref<128x128xf32, #tpu.memory_space<vmem>>, vector<1x16xf32>,
        %get3A_390 = vector.shape_cast %get3A_389 : vector<1x16xf32> to vector<16xf32>
        %mul3A_391 = arith.constant 11.3137083 : f32
        %mul3A_392 = vector.broadcast %mul3A_391 : f32 to vector<16xf32>
        %mul3A_393 = arith.mulf %get3A_390, %mul3A_392 : vector<16xf32>
        %swap3A_394 = arith.index_cast %scan3A_314 : i32 to index
        %swap3A_395 = arith.constant 96 : index
        %swap3A_396 = tpu.vector_load %arg9[%swap3A_394, %swap3A_395] {strides = array<i32>} : memref<128x128xf32, #tpu.memory_space<vmem>>, vector<1x16xf32>,
        %swap3A_397 = vector.shape_cast %swap3A_396 : vector<1x16xf32> to vector<16xf32>
        %swap3A_398 = vector.shape_cast %mul3A_393 : vector<16xf32> to vector<1x16xf32>
        tpu.vector_store %arg9[%swap3A_394, %swap3A_395], %swap3A_398 {strides = array<i32>} : memref<128x128xf32, #tpu.memory_space<vmem>>, vector<1x16xf32>,
        %get3A_399 = arith.index_cast %scan3A_314 : i32 to index
        %get3A_400 = arith.constant 112 : index
        %get3A_401 = tpu.vector_load %arg9[%get3A_399, %get3A_400] {strides = array<i32>} : memref<128x128xf32, #tpu.memory_space<vmem>>, vector<1x16xf32>,
        %get3A_402 = vector.shape_cast %get3A_401 : vector<1x16xf32> to vector<16xf32>
        %mul3A_403 = arith.constant 11.3137083 : f32
        %mul3A_404 = vector.broadcast %mul3A_403 : f32 to vector<16xf32>
        %mul3A_405 = arith.mulf %get3A_402, %mul3A_404 : vector<16xf32>
        %swap3A_406 = arith.index_cast %scan3A_314 : i32 to index
        %swap3A_407 = arith.constant 112 : index
        %swap3A_408 = tpu.vector_load %arg9[%swap3A_406, %swap3A_407] {strides = array<i32>} : memref<128x128xf32, #tpu.memory_space<vmem>>, vector<1x16xf32>,
        %swap3A_409 = vector.shape_cast %swap3A_408 : vector<1x16xf32> to vector<16xf32>
        %swap3A_410 = vector.shape_cast %mul3A_405 : vector<16xf32> to vector<1x16xf32>
        tpu.vector_store %arg9[%swap3A_406, %swap3A_407], %swap3A_410 {strides = array<i32>} : memref<128x128xf32, #tpu.memory_space<vmem>>, vector<1x16xf32>,
      }
      %scan3A_180 = arith.constant 128 : i32
      %mul3A_181 = arith.constant 128 : i32
      %mul3A_182 = arith.muli %add3A_161, %mul3A_181 : i32
      %add3A_183 = arith.addi %mul3A_2, %mul3A_182 : i32
      %dma_start3A_184 = arith.constant 0 : i32
      %dma_start3A_185 = tpu.memref_slice %arg4[%add3A_183, %dma_start3A_184] : memref<819200x128xf32, #tpu.memory_space<hbm>> -> memref<128x128xf32, #tpu.memory_space<hbm>>
      %dma_start3A_186 = arith.constant 0 : i32
      %dma_start3A_187 = tpu.memref_slice %arg4[%add3A_183, %dma_start3A_186] : memref<819200x128xf32, #tpu.memory_space<hbm>> -> memref<128x128xf32, #tpu.memory_space<hbm>>
      tpu.enqueue_dma source(%arg9 : memref<128x128xf32, #tpu.memory_space<vmem>>) target(%dma_start3A_187 : memref<128x128xf32, #tpu.memory_space<hbm>>) target_semaphore(%arg19 : memref<!tpu.dma_semaphore, #tpu.memory_space<semaphore_mem>>)
      %mul3A_188 = arith.constant 5 : i32
      %mul3A_189 = arith.muli %scan3A_59, %mul3A_188 : i32
      %add3A_190 = arith.constant 4 : i32
      %add3A_191 = arith.addi %mul3A_189, %add3A_190 : i32
      %add3A_192 = arith.constant 3 : i32
      %add3A_193 = arith.addi %add3A_191, %add3A_192 : i32
      %le3A_194 = arith.constant 38 : i32
      %le3A_195 = arith.cmpi sle, %scan3A_59, %le3A_194 : i32
      %convert_element_type3A_196 = arith.extui %le3A_195 : i1 to i32
      %cond3A_197 = arith.constant 0 : i32
      %cond3A_198 = arith.cmpi ne, %convert_element_type3A_196, %cond3A_197 : i32
      scf.if %cond3A_198 {
        %sub3A = arith.constant 5 : i32
        %sub3A_218 = arith.subi %add3A_193, %sub3A : i32
        %mul3A_219 = arith.constant 128 : i32
        %mul3A_220 = arith.muli %sub3A_218, %mul3A_219 : i32
        %add3A_221 = arith.addi %mul3A_2, %mul3A_220 : i32
        %dma_wait3A_222 = arith.constant 0 : i32
        %dma_wait3A_223 = tpu.memref_slice %arg4[%add3A_221, %dma_wait3A_222] : memref<819200x128xf32, #tpu.memory_space<hbm>> -> memref<128x128xf32, #tpu.memory_space<hbm>>
        %dma_wait3A_224 = arith.constant 0 : i32
        %dma_wait3A_225 = tpu.memref_slice %arg4[%add3A_221, %dma_wait3A_224] : memref<819200x128xf32, #tpu.memory_space<hbm>> -> memref<128x128xf32, #tpu.memory_space<hbm>>
        tpu.wait_dma2 semaphore(%arg18 : memref<!tpu.dma_semaphore, #tpu.memory_space<semaphore_mem>>) src(%arg8 : memref<128x128xf32, #tpu.memory_space<vmem>>) dst(%dma_wait3A_225 : memref<128x128xf32, #tpu.memory_space<hbm>>)
        %dma_start3A_226 = arith.constant 0 : i32
        %dma_start3A_227 = tpu.memref_slice %arg5[%add3A_193, %dma_start3A_226] : memref<200x128xi32, #tpu.memory_space<vmem>> -> memref<1x128xi32, #tpu.memory_space<vmem>>
        %dma_start3A_228 = tpu.memref_squeeze %dma_start3A_227 : memref<1x128xi32, #tpu.memory_space<vmem>> -> memref<128xi32, #tpu.memory_space<vmem>>
        %dma_start3A_229 = arith.constant 0 : i32
        %dma_start3A_230 = arith.constant 0 : i32
        %dma_start3A_231 = tpu.memref_slice %arg3[%dma_start3A_229, %dma_start3A_230] : memref<1000000x128xf32, #tpu.memory_space<hbm>> -> memref<1000000x128xf32, #tpu.memory_space<hbm>>
        tpu.enqueue_indirect_dma source(%dma_start3A_231 : memref<1000000x128xf32, #tpu.memory_space<hbm>>) target(%arg8 : memref<128x128xf32, #tpu.memory_space<vmem>>) offsets(%dma_start3A_228 : memref<128xi32, #tpu.memory_space<vmem>>) semaphore(%arg13 : memref<!tpu.dma_semaphore, #tpu.memory_space<semaphore_mem>>)
      } else {
      }
      %dma_wait3A_199 = arith.constant 0 : i32
      %dma_wait3A_200 = tpu.memref_slice %arg5[%add3A_191, %dma_wait3A_199] : memref<200x128xi32, #tpu.memory_space<vmem>> -> memref<1x128xi32, #tpu.memory_space<vmem>>
      %dma_wait3A_201 = tpu.memref_squeeze %dma_wait3A_200 : memref<1x128xi32, #tpu.memory_space<vmem>> -> memref<128xi32, #tpu.memory_space<vmem>>
      %dma_wait3A_202 = arith.constant 0 : i32
      %dma_wait3A_203 = arith.constant 0 : i32
      %dma_wait3A_204 = tpu.memref_slice %arg3[%dma_wait3A_202, %dma_wait3A_203] : memref<1000000x128xf32, #tpu.memory_space<hbm>> -> memref<1000000x128xf32, #tpu.memory_space<hbm>>
      tpu.wait_indirect_dma semaphore(%arg15 : memref<!tpu.dma_semaphore, #tpu.memory_space<semaphore_mem>>) src(%dma_wait3A_204 : memref<1000000x128xf32, #tpu.memory_space<hbm>>) dst(%arg10 : memref<128x128xf32, #tpu.memory_space<vmem>>)
      %scan3A_205 = arith.constant 0 : i32
      %scan3A_206 = arith.constant 0 : i32
      %scan3A_207 = arith.constant 128 : i32
      %scan3A_208 = arith.addi %scan3A_206, %scan3A_207 : i32
      %scan3A_209 = arith.constant 2 : i32
      scf.for %scan3A_218 = %scan3A_206 to %scan3A_208 step %scan3A_209  : i32 {
        %get3A = arith.index_cast %scan3A_218 : i32 to index
        %get3A_219 = arith.constant 0 : index
        %get3A_220 = tpu.vector_load %arg10[%get3A, %get3A_219] {strides = array<i32>} : memref<128x128xf32, #tpu.memory_space<vmem>>, vector<1x16xf32>,
        %get3A_221 = vector.shape_cast %get3A_220 : vector<1x16xf32> to vector<16xf32>
        %mul3A_222 = arith.constant 11.3137083 : f32
        %mul3A_223 = vector.broadcast %mul3A_222 : f32 to vector<16xf32>
        %mul3A_224 = arith.mulf %get3A_221, %mul3A_223 : vector<16xf32>
        %swap3A = arith.index_cast %scan3A_218 : i32 to index
        %swap3A_225 = arith.constant 0 : index
        %swap3A_226 = tpu.vector_load %arg10[%swap3A, %swap3A_225] {strides = array<i32>} : memref<128x128xf32, #tpu.memory_space<vmem>>, vector<1x16xf32>,
        %swap3A_227 = vector.shape_cast %swap3A_226 : vector<1x16xf32> to vector<16xf32>
        %swap3A_228 = vector.shape_cast %mul3A_224 : vector<16xf32> to vector<1x16xf32>
        tpu.vector_store %arg10[%swap3A, %swap3A_225], %swap3A_228 {strides = array<i32>} : memref<128x128xf32, #tpu.memory_space<vmem>>, vector<1x16xf32>,
        %get3A_229 = arith.index_cast %scan3A_218 : i32 to index
        %get3A_230 = arith.constant 16 : index
        %get3A_231 = tpu.vector_load %arg10[%get3A_229, %get3A_230] {strides = array<i32>} : memref<128x128xf32, #tpu.memory_space<vmem>>, vector<1x16xf32>,
        %get3A_232 = vector.shape_cast %get3A_231 : vector<1x16xf32> to vector<16xf32>
        %mul3A_233 = arith.constant 11.3137083 : f32
        %mul3A_234 = vector.broadcast %mul3A_233 : f32 to vector<16xf32>
        %mul3A_235 = arith.mulf %get3A_232, %mul3A_234 : vector<16xf32>
        %swap3A_236 = arith.index_cast %scan3A_218 : i32 to index
        %swap3A_237 = arith.constant 16 : index
        %swap3A_238 = tpu.vector_load %arg10[%swap3A_236, %swap3A_237] {strides = array<i32>} : memref<128x128xf32, #tpu.memory_space<vmem>>, vector<1x16xf32>,
        %swap3A_239 = vector.shape_cast %swap3A_238 : vector<1x16xf32> to vector<16xf32>
        %swap3A_240 = vector.shape_cast %mul3A_235 : vector<16xf32> to vector<1x16xf32>
        tpu.vector_store %arg10[%swap3A_236, %swap3A_237], %swap3A_240 {strides = array<i32>} : memref<128x128xf32, #tpu.memory_space<vmem>>, vector<1x16xf32>,
        %get3A_241 = arith.index_cast %scan3A_218 : i32 to index
        %get3A_242 = arith.constant 32 : index
        %get3A_243 = tpu.vector_load %arg10[%get3A_241, %get3A_242] {strides = array<i32>} : memref<128x128xf32, #tpu.memory_space<vmem>>, vector<1x16xf32>,
        %get3A_244 = vector.shape_cast %get3A_243 : vector<1x16xf32> to vector<16xf32>
        %mul3A_245 = arith.constant 11.3137083 : f32
        %mul3A_246 = vector.broadcast %mul3A_245 : f32 to vector<16xf32>
        %mul3A_247 = arith.mulf %get3A_244, %mul3A_246 : vector<16xf32>
        %swap3A_248 = arith.index_cast %scan3A_218 : i32 to index
        %swap3A_249 = arith.constant 32 : index
        %swap3A_250 = tpu.vector_load %arg10[%swap3A_248, %swap3A_249] {strides = array<i32>} : memref<128x128xf32, #tpu.memory_space<vmem>>, vector<1x16xf32>,
        %swap3A_251 = vector.shape_cast %swap3A_250 : vector<1x16xf32> to vector<16xf32>
        %swap3A_252 = vector.shape_cast %mul3A_247 : vector<16xf32> to vector<1x16xf32>
        tpu.vector_store %arg10[%swap3A_248, %swap3A_249], %swap3A_252 {strides = array<i32>} : memref<128x128xf32, #tpu.memory_space<vmem>>, vector<1x16xf32>,
        %get3A_253 = arith.index_cast %scan3A_218 : i32 to index
        %get3A_254 = arith.constant 48 : index
        %get3A_255 = tpu.vector_load %arg10[%get3A_253, %get3A_254] {strides = array<i32>} : memref<128x128xf32, #tpu.memory_space<vmem>>, vector<1x16xf32>,
        %get3A_256 = vector.shape_cast %get3A_255 : vector<1x16xf32> to vector<16xf32>
        %mul3A_257 = arith.constant 11.3137083 : f32
        %mul3A_258 = vector.broadcast %mul3A_257 : f32 to vector<16xf32>
        %mul3A_259 = arith.mulf %get3A_256, %mul3A_258 : vector<16xf32>
        %swap3A_260 = arith.index_cast %scan3A_218 : i32 to index
        %swap3A_261 = arith.constant 48 : index
        %swap3A_262 = tpu.vector_load %arg10[%swap3A_260, %swap3A_261] {strides = array<i32>} : memref<128x128xf32, #tpu.memory_space<vmem>>, vector<1x16xf32>,
        %swap3A_263 = vector.shape_cast %swap3A_262 : vector<1x16xf32> to vector<16xf32>
        %swap3A_264 = vector.shape_cast %mul3A_259 : vector<16xf32> to vector<1x16xf32>
        tpu.vector_store %arg10[%swap3A_260, %swap3A_261], %swap3A_264 {strides = array<i32>} : memref<128x128xf32, #tpu.memory_space<vmem>>, vector<1x16xf32>,
        %get3A_265 = arith.index_cast %scan3A_218 : i32 to index
        %get3A_266 = arith.constant 64 : index
        %get3A_267 = tpu.vector_load %arg10[%get3A_265, %get3A_266] {strides = array<i32>} : memref<128x128xf32, #tpu.memory_space<vmem>>, vector<1x16xf32>,
        %get3A_268 = vector.shape_cast %get3A_267 : vector<1x16xf32> to vector<16xf32>
        %mul3A_269 = arith.constant 11.3137083 : f32
        %mul3A_270 = vector.broadcast %mul3A_269 : f32 to vector<16xf32>
        %mul3A_271 = arith.mulf %get3A_268, %mul3A_270 : vector<16xf32>
        %swap3A_272 = arith.index_cast %scan3A_218 : i32 to index
        %swap3A_273 = arith.constant 64 : index
        %swap3A_274 = tpu.vector_load %arg10[%swap3A_272, %swap3A_273] {strides = array<i32>} : memref<128x128xf32, #tpu.memory_space<vmem>>, vector<1x16xf32>,
        %swap3A_275 = vector.shape_cast %swap3A_274 : vector<1x16xf32> to vector<16xf32>
        %swap3A_276 = vector.shape_cast %mul3A_271 : vector<16xf32> to vector<1x16xf32>
        tpu.vector_store %arg10[%swap3A_272, %swap3A_273], %swap3A_276 {strides = array<i32>} : memref<128x128xf32, #tpu.memory_space<vmem>>, vector<1x16xf32>,
        %get3A_277 = arith.index_cast %scan3A_218 : i32 to index
        %get3A_278 = arith.constant 80 : index
        %get3A_279 = tpu.vector_load %arg10[%get3A_277, %get3A_278] {strides = array<i32>} : memref<128x128xf32, #tpu.memory_space<vmem>>, vector<1x16xf32>,
        %get3A_280 = vector.shape_cast %get3A_279 : vector<1x16xf32> to vector<16xf32>
        %mul3A_281 = arith.constant 11.3137083 : f32
        %mul3A_282 = vector.broadcast %mul3A_281 : f32 to vector<16xf32>
        %mul3A_283 = arith.mulf %get3A_280, %mul3A_282 : vector<16xf32>
        %swap3A_284 = arith.index_cast %scan3A_218 : i32 to index
        %swap3A_285 = arith.constant 80 : index
        %swap3A_286 = tpu.vector_load %arg10[%swap3A_284, %swap3A_285] {strides = array<i32>} : memref<128x128xf32, #tpu.memory_space<vmem>>, vector<1x16xf32>,
        %swap3A_287 = vector.shape_cast %swap3A_286 : vector<1x16xf32> to vector<16xf32>
        %swap3A_288 = vector.shape_cast %mul3A_283 : vector<16xf32> to vector<1x16xf32>
        tpu.vector_store %arg10[%swap3A_284, %swap3A_285], %swap3A_288 {strides = array<i32>} : memref<128x128xf32, #tpu.memory_space<vmem>>, vector<1x16xf32>,
        %get3A_289 = arith.index_cast %scan3A_218 : i32 to index
        %get3A_290 = arith.constant 96 : index
        %get3A_291 = tpu.vector_load %arg10[%get3A_289, %get3A_290] {strides = array<i32>} : memref<128x128xf32, #tpu.memory_space<vmem>>, vector<1x16xf32>,
        %get3A_292 = vector.shape_cast %get3A_291 : vector<1x16xf32> to vector<16xf32>
        %mul3A_293 = arith.constant 11.3137083 : f32
        %mul3A_294 = vector.broadcast %mul3A_293 : f32 to vector<16xf32>
        %mul3A_295 = arith.mulf %get3A_292, %mul3A_294 : vector<16xf32>
        %swap3A_296 = arith.index_cast %scan3A_218 : i32 to index
        %swap3A_297 = arith.constant 96 : index
        %swap3A_298 = tpu.vector_load %arg10[%swap3A_296, %swap3A_297] {strides = array<i32>} : memref<128x128xf32, #tpu.memory_space<vmem>>, vector<1x16xf32>,
        %swap3A_299 = vector.shape_cast %swap3A_298 : vector<1x16xf32> to vector<16xf32>
        %swap3A_300 = vector.shape_cast %mul3A_295 : vector<16xf32> to vector<1x16xf32>
        tpu.vector_store %arg10[%swap3A_296, %swap3A_297], %swap3A_300 {strides = array<i32>} : memref<128x128xf32, #tpu.memory_space<vmem>>, vector<1x16xf32>,
        %get3A_301 = arith.index_cast %scan3A_218 : i32 to index
        %get3A_302 = arith.constant 112 : index
        %get3A_303 = tpu.vector_load %arg10[%get3A_301, %get3A_302] {strides = array<i32>} : memref<128x128xf32, #tpu.memory_space<vmem>>, vector<1x16xf32>,
        %get3A_304 = vector.shape_cast %get3A_303 : vector<1x16xf32> to vector<16xf32>
        %mul3A_305 = arith.constant 11.3137083 : f32
        %mul3A_306 = vector.broadcast %mul3A_305 : f32 to vector<16xf32>
        %mul3A_307 = arith.mulf %get3A_304, %mul3A_306 : vector<16xf32>
        %swap3A_308 = arith.index_cast %scan3A_218 : i32 to index
        %swap3A_309 = arith.constant 112 : index
        %swap3A_310 = tpu.vector_load %arg10[%swap3A_308, %swap3A_309] {strides = array<i32>} : memref<128x128xf32, #tpu.memory_space<vmem>>, vector<1x16xf32>,
        %swap3A_311 = vector.shape_cast %swap3A_310 : vector<1x16xf32> to vector<16xf32>
        %swap3A_312 = vector.shape_cast %mul3A_307 : vector<16xf32> to vector<1x16xf32>
        tpu.vector_store %arg10[%swap3A_308, %swap3A_309], %swap3A_312 {strides = array<i32>} : memref<128x128xf32, #tpu.memory_space<vmem>>, vector<1x16xf32>,
        %scan3A_313 = arith.constant 1 : i32
        %scan3A_314 = arith.addi %scan3A_218, %scan3A_313 : i32
        %get3A_315 = arith.index_cast %scan3A_314 : i32 to index
        %get3A_316 = arith.constant 0 : index
        %get3A_317 = tpu.vector_load %arg10[%get3A_315, %get3A_316] {strides = array<i32>} : memref<128x128xf32, #tpu.memory_space<vmem>>, vector<1x16xf32>,
        %get3A_318 = vector.shape_cast %get3A_317 : vector<1x16xf32> to vector<16xf32>
        %mul3A_319 = arith.constant 11.3137083 : f32
        %mul3A_320 = vector.broadcast %mul3A_319 : f32 to vector<16xf32>
        %mul3A_321 = arith.mulf %get3A_318, %mul3A_320 : vector<16xf32>
        %swap3A_322 = arith.index_cast %scan3A_314 : i32 to index
        %swap3A_323 = arith.constant 0 : index
        %swap3A_324 = tpu.vector_load %arg10[%swap3A_322, %swap3A_323] {strides = array<i32>} : memref<128x128xf32, #tpu.memory_space<vmem>>, vector<1x16xf32>,
        %swap3A_325 = vector.shape_cast %swap3A_324 : vector<1x16xf32> to vector<16xf32>
        %swap3A_326 = vector.shape_cast %mul3A_321 : vector<16xf32> to vector<1x16xf32>
        tpu.vector_store %arg10[%swap3A_322, %swap3A_323], %swap3A_326 {strides = array<i32>} : memref<128x128xf32, #tpu.memory_space<vmem>>, vector<1x16xf32>,
        %get3A_327 = arith.index_cast %scan3A_314 : i32 to index
        %get3A_328 = arith.constant 16 : index
        %get3A_329 = tpu.vector_load %arg10[%get3A_327, %get3A_328] {strides = array<i32>} : memref<128x128xf32, #tpu.memory_space<vmem>>, vector<1x16xf32>,
        %get3A_330 = vector.shape_cast %get3A_329 : vector<1x16xf32> to vector<16xf32>
        %mul3A_331 = arith.constant 11.3137083 : f32
        %mul3A_332 = vector.broadcast %mul3A_331 : f32 to vector<16xf32>
        %mul3A_333 = arith.mulf %get3A_330, %mul3A_332 : vector<16xf32>
        %swap3A_334 = arith.index_cast %scan3A_314 : i32 to index
        %swap3A_335 = arith.constant 16 : index
        %swap3A_336 = tpu.vector_load %arg10[%swap3A_334, %swap3A_335] {strides = array<i32>} : memref<128x128xf32, #tpu.memory_space<vmem>>, vector<1x16xf32>,
        %swap3A_337 = vector.shape_cast %swap3A_336 : vector<1x16xf32> to vector<16xf32>
        %swap3A_338 = vector.shape_cast %mul3A_333 : vector<16xf32> to vector<1x16xf32>
        tpu.vector_store %arg10[%swap3A_334, %swap3A_335], %swap3A_338 {strides = array<i32>} : memref<128x128xf32, #tpu.memory_space<vmem>>, vector<1x16xf32>,
        %get3A_339 = arith.index_cast %scan3A_314 : i32 to index
        %get3A_340 = arith.constant 32 : index
        %get3A_341 = tpu.vector_load %arg10[%get3A_339, %get3A_340] {strides = array<i32>} : memref<128x128xf32, #tpu.memory_space<vmem>>, vector<1x16xf32>,
        %get3A_342 = vector.shape_cast %get3A_341 : vector<1x16xf32> to vector<16xf32>
        %mul3A_343 = arith.constant 11.3137083 : f32
        %mul3A_344 = vector.broadcast %mul3A_343 : f32 to vector<16xf32>
        %mul3A_345 = arith.mulf %get3A_342, %mul3A_344 : vector<16xf32>
        %swap3A_346 = arith.index_cast %scan3A_314 : i32 to index
        %swap3A_347 = arith.constant 32 : index
        %swap3A_348 = tpu.vector_load %arg10[%swap3A_346, %swap3A_347] {strides = array<i32>} : memref<128x128xf32, #tpu.memory_space<vmem>>, vector<1x16xf32>,
        %swap3A_349 = vector.shape_cast %swap3A_348 : vector<1x16xf32> to vector<16xf32>
        %swap3A_350 = vector.shape_cast %mul3A_345 : vector<16xf32> to vector<1x16xf32>
        tpu.vector_store %arg10[%swap3A_346, %swap3A_347], %swap3A_350 {strides = array<i32>} : memref<128x128xf32, #tpu.memory_space<vmem>>, vector<1x16xf32>,
        %get3A_351 = arith.index_cast %scan3A_314 : i32 to index
        %get3A_352 = arith.constant 48 : index
        %get3A_353 = tpu.vector_load %arg10[%get3A_351, %get3A_352] {strides = array<i32>} : memref<128x128xf32, #tpu.memory_space<vmem>>, vector<1x16xf32>,
        %get3A_354 = vector.shape_cast %get3A_353 : vector<1x16xf32> to vector<16xf32>
        %mul3A_355 = arith.constant 11.3137083 : f32
        %mul3A_356 = vector.broadcast %mul3A_355 : f32 to vector<16xf32>
        %mul3A_357 = arith.mulf %get3A_354, %mul3A_356 : vector<16xf32>
        %swap3A_358 = arith.index_cast %scan3A_314 : i32 to index
        %swap3A_359 = arith.constant 48 : index
        %swap3A_360 = tpu.vector_load %arg10[%swap3A_358, %swap3A_359] {strides = array<i32>} : memref<128x128xf32, #tpu.memory_space<vmem>>, vector<1x16xf32>,
        %swap3A_361 = vector.shape_cast %swap3A_360 : vector<1x16xf32> to vector<16xf32>
        %swap3A_362 = vector.shape_cast %mul3A_357 : vector<16xf32> to vector<1x16xf32>
        tpu.vector_store %arg10[%swap3A_358, %swap3A_359], %swap3A_362 {strides = array<i32>} : memref<128x128xf32, #tpu.memory_space<vmem>>, vector<1x16xf32>,
        %get3A_363 = arith.index_cast %scan3A_314 : i32 to index
        %get3A_364 = arith.constant 64 : index
        %get3A_365 = tpu.vector_load %arg10[%get3A_363, %get3A_364] {strides = array<i32>} : memref<128x128xf32, #tpu.memory_space<vmem>>, vector<1x16xf32>,
        %get3A_366 = vector.shape_cast %get3A_365 : vector<1x16xf32> to vector<16xf32>
        %mul3A_367 = arith.constant 11.3137083 : f32
        %mul3A_368 = vector.broadcast %mul3A_367 : f32 to vector<16xf32>
        %mul3A_369 = arith.mulf %get3A_366, %mul3A_368 : vector<16xf32>
        %swap3A_370 = arith.index_cast %scan3A_314 : i32 to index
        %swap3A_371 = arith.constant 64 : index
        %swap3A_372 = tpu.vector_load %arg10[%swap3A_370, %swap3A_371] {strides = array<i32>} : memref<128x128xf32, #tpu.memory_space<vmem>>, vector<1x16xf32>,
        %swap3A_373 = vector.shape_cast %swap3A_372 : vector<1x16xf32> to vector<16xf32>
        %swap3A_374 = vector.shape_cast %mul3A_369 : vector<16xf32> to vector<1x16xf32>
        tpu.vector_store %arg10[%swap3A_370, %swap3A_371], %swap3A_374 {strides = array<i32>} : memref<128x128xf32, #tpu.memory_space<vmem>>, vector<1x16xf32>,
        %get3A_375 = arith.index_cast %scan3A_314 : i32 to index
        %get3A_376 = arith.constant 80 : index
        %get3A_377 = tpu.vector_load %arg10[%get3A_375, %get3A_376] {strides = array<i32>} : memref<128x128xf32, #tpu.memory_space<vmem>>, vector<1x16xf32>,
        %get3A_378 = vector.shape_cast %get3A_377 : vector<1x16xf32> to vector<16xf32>
        %mul3A_379 = arith.constant 11.3137083 : f32
        %mul3A_380 = vector.broadcast %mul3A_379 : f32 to vector<16xf32>
        %mul3A_381 = arith.mulf %get3A_378, %mul3A_380 : vector<16xf32>
        %swap3A_382 = arith.index_cast %scan3A_314 : i32 to index
        %swap3A_383 = arith.constant 80 : index
        %swap3A_384 = tpu.vector_load %arg10[%swap3A_382, %swap3A_383] {strides = array<i32>} : memref<128x128xf32, #tpu.memory_space<vmem>>, vector<1x16xf32>,
        %swap3A_385 = vector.shape_cast %swap3A_384 : vector<1x16xf32> to vector<16xf32>
        %swap3A_386 = vector.shape_cast %mul3A_381 : vector<16xf32> to vector<1x16xf32>
        tpu.vector_store %arg10[%swap3A_382, %swap3A_383], %swap3A_386 {strides = array<i32>} : memref<128x128xf32, #tpu.memory_space<vmem>>, vector<1x16xf32>,
        %get3A_387 = arith.index_cast %scan3A_314 : i32 to index
        %get3A_388 = arith.constant 96 : index
        %get3A_389 = tpu.vector_load %arg10[%get3A_387, %get3A_388] {strides = array<i32>} : memref<128x128xf32, #tpu.memory_space<vmem>>, vector<1x16xf32>,
        %get3A_390 = vector.shape_cast %get3A_389 : vector<1x16xf32> to vector<16xf32>
        %mul3A_391 = arith.constant 11.3137083 : f32
        %mul3A_392 = vector.broadcast %mul3A_391 : f32 to vector<16xf32>
        %mul3A_393 = arith.mulf %get3A_390, %mul3A_392 : vector<16xf32>
        %swap3A_394 = arith.index_cast %scan3A_314 : i32 to index
        %swap3A_395 = arith.constant 96 : index
        %swap3A_396 = tpu.vector_load %arg10[%swap3A_394, %swap3A_395] {strides = array<i32>} : memref<128x128xf32, #tpu.memory_space<vmem>>, vector<1x16xf32>,
        %swap3A_397 = vector.shape_cast %swap3A_396 : vector<1x16xf32> to vector<16xf32>
        %swap3A_398 = vector.shape_cast %mul3A_393 : vector<16xf32> to vector<1x16xf32>
        tpu.vector_store %arg10[%swap3A_394, %swap3A_395], %swap3A_398 {strides = array<i32>} : memref<128x128xf32, #tpu.memory_space<vmem>>, vector<1x16xf32>,
        %get3A_399 = arith.index_cast %scan3A_314 : i32 to index
        %get3A_400 = arith.constant 112 : index
        %get3A_401 = tpu.vector_load %arg10[%get3A_399, %get3A_400] {strides = array<i32>} : memref<128x128xf32, #tpu.memory_space<vmem>>, vector<1x16xf32>,
        %get3A_402 = vector.shape_cast %get3A_401 : vector<1x16xf32> to vector<16xf32>
        %mul3A_403 = arith.constant 11.3137083 : f32
        %mul3A_404 = vector.broadcast %mul3A_403 : f32 to vector<16xf32>
        %mul3A_405 = arith.mulf %get3A_402, %mul3A_404 : vector<16xf32>
        %swap3A_406 = arith.index_cast %scan3A_314 : i32 to index
        %swap3A_407 = arith.constant 112 : index
        %swap3A_408 = tpu.vector_load %arg10[%swap3A_406, %swap3A_407] {strides = array<i32>} : memref<128x128xf32, #tpu.memory_space<vmem>>, vector<1x16xf32>,
        %swap3A_409 = vector.shape_cast %swap3A_408 : vector<1x16xf32> to vector<16xf32>
        %swap3A_410 = vector.shape_cast %mul3A_405 : vector<16xf32> to vector<1x16xf32>
        tpu.vector_store %arg10[%swap3A_406, %swap3A_407], %swap3A_410 {strides = array<i32>} : memref<128x128xf32, #tpu.memory_space<vmem>>, vector<1x16xf32>,
      }
      %scan3A_210 = arith.constant 128 : i32
      %mul3A_211 = arith.constant 128 : i32
      %mul3A_212 = arith.muli %add3A_191, %mul3A_211 : i32
      %add3A_213 = arith.addi %mul3A_2, %mul3A_212 : i32
      %dma_start3A_214 = arith.constant 0 : i32
      %dma_start3A_215 = tpu.memref_slice %arg4[%add3A_213, %dma_start3A_214] : memref<819200x128xf32, #tpu.memory_space<hbm>> -> memref<128x128xf32, #tpu.memory_space<hbm>>
      %dma_start3A_216 = arith.constant 0 : i32
      %dma_start3A_217 = tpu.memref_slice %arg4[%add3A_213, %dma_start3A_216] : memref<819200x128xf32, #tpu.memory_space<hbm>> -> memref<128x128xf32, #tpu.memory_space<hbm>>
      tpu.enqueue_dma source(%arg10 : memref<128x128xf32, #tpu.memory_space<vmem>>) target(%dma_start3A_217 : memref<128x128xf32, #tpu.memory_space<hbm>>) target_semaphore(%arg20 : memref<!tpu.dma_semaphore, #tpu.memory_space<semaphore_mem>>)
    }
    %scan3A_29 = arith.constant 40 : i32
    %add3A_30 = arith.constant 24960 : i32
    %add3A_31 = arith.addi %mul3A_2, %add3A_30 : i32
    %dma_wait3A = arith.constant 0 : i32
    %dma_wait3A_32 = tpu.memref_slice %arg4[%add3A_31, %dma_wait3A] : memref<819200x128xf32, #tpu.memory_space<hbm>> -> memref<128x128xf32, #tpu.memory_space<hbm>>
    %dma_wait3A_33 = arith.constant 0 : i32
    %dma_wait3A_34 = tpu.memref_slice %arg4[%add3A_31, %dma_wait3A_33] : memref<819200x128xf32, #tpu.memory_space<hbm>> -> memref<128x128xf32, #tpu.memory_space<hbm>>
    tpu.wait_dma2 semaphore(%arg16 : memref<!tpu.dma_semaphore, #tpu.memory_space<semaphore_mem>>) src(%arg6 : memref<128x128xf32, #tpu.memory_space<vmem>>) dst(%dma_wait3A_34 : memref<128x128xf32, #tpu.memory_space<hbm>>)
    %add3A_35 = arith.constant 25088 : i32
    %add3A_36 = arith.addi %mul3A_2, %add3A_35 : i32
    %dma_wait3A_37 = arith.constant 0 : i32
    %dma_wait3A_38 = tpu.memref_slice %arg4[%add3A_36, %dma_wait3A_37] : memref<819200x128xf32, #tpu.memory_space<hbm>> -> memref<128x128xf32, #tpu.memory_space<hbm>>
    %dma_wait3A_39 = arith.constant 0 : i32
    %dma_wait3A_40 = tpu.memref_slice %arg4[%add3A_36, %dma_wait3A_39] : memref<819200x128xf32, #tpu.memory_space<hbm>> -> memref<128x128xf32, #tpu.memory_space<hbm>>
    tpu.wait_dma2 semaphore(%arg17 : memref<!tpu.dma_semaphore, #tpu.memory_space<semaphore_mem>>) src(%arg7 : memref<128x128xf32, #tpu.memory_space<vmem>>) dst(%dma_wait3A_40 : memref<128x128xf32, #tpu.memory_space<hbm>>)
    %add3A_41 = arith.constant 25216 : i32
    %add3A_42 = arith.addi %mul3A_2, %add3A_41 : i32
    %dma_wait3A_43 = arith.constant 0 : i32
    %dma_wait3A_44 = tpu.memref_slice %arg4[%add3A_42, %dma_wait3A_43] : memref<819200x128xf32, #tpu.memory_space<hbm>> -> memref<128x128xf32, #tpu.memory_space<hbm>>
    %dma_wait3A_45 = arith.constant 0 : i32
    %dma_wait3A_46 = tpu.memref_slice %arg4[%add3A_42, %dma_wait3A_45] : memref<819200x128xf32, #tpu.memory_space<hbm>> -> memref<128x128xf32, #tpu.memory_space<hbm>>
    tpu.wait_dma2 semaphore(%arg18 : memref<!tpu.dma_semaphore, #tpu.memory_space<semaphore_mem>>) src(%arg8 : memref<128x128xf32, #tpu.memory_space<vmem>>) dst(%dma_wait3A_46 : memref<128x128xf32, #tpu.memory_space<hbm>>)
    %add3A_47 = arith.constant 25344 : i32
    %add3A_48 = arith.addi %mul3A_2, %add3A_47 : i32
    %dma_wait3A_49 = arith.constant 0 : i32
    %dma_wait3A_50 = tpu.memref_slice %arg4[%add3A_48, %dma_wait3A_49] : memref<819200x128xf32, #tpu.memory_space<hbm>> -> memref<128x128xf32, #tpu.memory_space<hbm>>
    %dma_wait3A_51 = arith.constant 0 : i32
    %dma_wait3A_52 = tpu.memref_slice %arg4[%add3A_48, %dma_wait3A_51] : memref<819200x128xf32, #tpu.memory_space<hbm>> -> memref<128x128xf32, #tpu.memory_space<hbm>>
    tpu.wait_dma2 semaphore(%arg19 : memref<!tpu.dma_semaphore, #tpu.memory_space<semaphore_mem>>) src(%arg9 : memref<128x128xf32, #tpu.memory_space<vmem>>) dst(%dma_wait3A_52 : memref<128x128xf32, #tpu.memory_space<hbm>>)
    %add3A_53 = arith.constant 25472 : i32
    %add3A_54 = arith.addi %mul3A_2, %add3A_53 : i32
    %dma_wait3A_55 = arith.constant 0 : i32
    %dma_wait3A_56 = tpu.memref_slice %arg4[%add3A_54, %dma_wait3A_55] : memref<819200x128xf32, #tpu.memory_space<hbm>> -> memref<128x128xf32, #tpu.memory_space<hbm>>
    %dma_wait3A_57 = arith.constant 0 : i32
    %dma_wait3A_58 = tpu.memref_slice %arg4[%add3A_54, %dma_wait3A_57] : memref<819200x128xf32, #tpu.memory_space<hbm>> -> memref<128x128xf32, #tpu.memory_space<hbm>>
    tpu.wait_dma2 semaphore(%arg20 : memref<!tpu.dma_semaphore, #tpu.memory_space<semaphore_mem>>) src(%arg10 : memref<128x128xf32, #tpu.memory_space<vmem>>) dst(%dma_wait3A_58 : memref<128x128xf32, #tpu.memory_space<hbm>>)
    return
  }
}

</mosaic_0001>

<sc_bundles>
// kernel: kernel.3.cloned.1.call-start
scs
__scs_entry_jumppad:
0x0: {  	(pc) =	sbr.rel $0x88, $3  }
0x1: {  	(tag) =	ssettag $0x0;
	lr =	simm.s32 $0x1  }
0x2: {  	[smem:$0x3F9F] =	sst lr;
	_ =	strace $0xD0000000  }
0x3: {  	_ = 	snop  }
0x4: {  	_ = 	snop  }
0x5: {  	_ = 	snop  }
0x6: {  	_ = 	snop  }
0x7: {  	_ = 	snop  }
__scs_overlays_trampoline_lowered:
0x8: {  	[smem:$0x3FAE] =	sst s0  }
0x9: {  	[smem:$0x3FAF] =	sst s1  }
0xa: {  	[smem:$0x3FB0] =	sst s2  }
0xb: {  	[smem:$0x3FB1] =	sst s3  }
0xc: {  	[smem:$0x3FB2] =	sst s4  }
0xd: {  	[smem:$0x3FB3] =	sst s5  }
0xe: {  	[smem:$0x3FB4] =	sst s6  }
0xf: {  	[smem:$0x3FB5] =	sst s7  }
0x10: {  	[smem:$0x3FB6] =	sst s8  }
0x11: {  	[smem:$0x3FB7] =	sst s9;
	s0 =	simm.s32 @!p0 $0x0  }
0x12: {  	s1 =	sld [smem:$0x3F9D];
	s0 =	simm.s32 @p0 $0x1  }
0x13: {  	[smem:$0x3FB8] =	sst s0;
	s0 =	simm.s32 @!p1 $0x0  }
0x14: {  	s2 =	sld [smem:$0x3F9C];
	s0 =	simm.s32 @p1 $0x1  }
0x15: {  	[smem:$0x3FB9] =	sst s0;
	s0 =	simm.s32 @!p2 $0x0  }
0x16: {  	s3 =	sld [smem:$0x3FDB];
	s0 =	simm.s32 @p2 $0x1  }
0x17: {  	s4 =	simm.s32 $0x1BF5;
	[smem:$0x3FBB] =	sst s0  }
0x18: {  	s0 =	sld [smem:$0x3F9E];
	_ =	swait.ge [sflag:s4], $0x0  }
0x19: {  	s7 =	sld [smem:$0x3F9F]  }
0x1a: {  	s8 =	sadd.s32 $0xFFFFE003, lr  }
0x1b: {  	s9 =	sadd.s32 $0xFFFFFEF7, lr;
	s5 =	simm.s32 $0xFFFFFFFF;
	p2 =	slt.u32 s8, $0xFFFFF086  }
0x1c: {  	p1 =	slt.u32 s9, $0xF7A;
	s5 =	simm.s32 @!p2 $0x0  }
0x1d: {  	s5 =	simm.s32 @p1 $0x1;
	p0 =	seq.s32 s7, s2  }
0x1e: {  	s7 =	smul.u32 @!p0 $0xF7A, s2;
	p2 =	seq.s32 @!p0 s5, $0x0  }
0x1f: {  	s9 =	smul.u32 $0xF7A, s1;
	s8 =	simm.s32 @!p0 $0x1BF5;
	p2 =	por !p2, p0  }
0x20: {  	[sflag:s8] =	ssyncset.s32 @!p0 $0xFFFFF086;
	s6 =	sadd.s32 @!p0 s3, s7;
	s7 =	simm.s32 @!p0 $0x108  }
0x21: {  	s3 =	sadd.s32 s3, s9;
	s6 =	sadd.s32 @!p0 $0x88, s6;
	s7 =	simm.s32 @p2 $0x1082  }
0x22: {  	[simem:s7], [sflag:s8] =	dma.local @!p0 [hbm:s6], $0xF7A  }
0x23: {  	s9 =	sor.u32 $0xD0000000, s2;
	s6 =	simm.s32 $0x108;
	_ =	swait.ge @!p0 [sflag:s8], $0x0  }
0x24: {  	s3 =	sadd.s32 $0x88, s3;
	s6 =	simm.s32 @!p1 $0x1082;
	[sflag:s4] =	ssyncset.s32 $0xFFFFF086  }
0x25: {  	[simem:s6], [sflag:s4] =	dma.local [hbm:s3], $0xF7A  }
0x26: {  	[smem:$0x3F9F] =	sst s1;
	(tag) =	ssettag s2;
	_ =	strace s9  }
0x27: {  	s1 =	sld [smem:$0x3FAF]  }
0x28: {  	s2 =	sld [smem:$0x3FB0]  }
0x29: {  	s4 =	sld [smem:$0x3FB2]  }
0x2a: {  	p0 =	seq.s32 s5, $0x0;
	s5 =	sld [smem:$0x3FB3]  }
0x2b: {  	s6 =	sld [smem:$0x3FB4]  }
0x2c: {  	s7 =	sld [smem:$0x3FB5]  }
0x2d: {  	s3 =	simm.s32 $0x108;
	s8 =	sld [smem:$0x3FB6]  }
0x2e: {  	s3 =	simm.s32 @!p0 $0x1082;
	s9 =	sld [smem:$0x3FB7]  }
0x2f: {  	lr =	sadd.s32 s0, s3;
	s0 =	sld [smem:$0x3FAE]  }
0x30: {  	s3 =	sld [smem:$0x3FB1]  }
0x31: {  	[smem:$0x3FBA] =	sst s10  }
0x32: {  	s10 =	sld [smem:$0x3FB8];
	_ =	sdelay $0x3  }
0x33: {  	p0 =	seq.s32 s10, $0x1;
	s10 =	sld [smem:$0x3FBA];
	_ =	sdelay $0x3  }
0x34: {  	[smem:$0x3FBA] =	sst s10  }
0x35: {  	s10 =	sld [smem:$0x3FB9];
	_ =	sdelay $0x3  }
0x36: {  	p1 =	seq.s32 s10, $0x1;
	s10 =	sld [smem:$0x3FBA];
	_ =	sdelay $0x3  }
0x37: {  	[smem:$0x3FBA] =	sst s10  }
0x38: {  	s10 =	sld [smem:$0x3FBB]  }
0x39: {  	_ = 	snop;
	(pc) =	sbr.ind lr, $3  }
0x3a: {  	_ = 	snop  }
0x3b: {  	_ = 	snop  }
0x3c: {  	p2 =	seq.s32 s10, $0x1;
	s10 =	sld [smem:$0x3FBA]  }
0x3d: {  	_ =	shalt  }
0x3e: {  	_ =	shalt  }
0x3f: {  	_ =	shalt  }
0x40: {  	_ =	shalt  }
0x41: {  	_ =	shalt  }
0x42: {  	_ =	shalt  }
0x43: {  	_ =	shalt  }
0x44: {  	_ =	shalt  }
0x45: {  	_ =	shalt  }
0x46: {  	_ =	shalt  }
0x47: {  	_ =	shalt  }
0x48: {  	_ =	shalt  }
0x49: {  	_ =	shalt  }
0x4a: {  	_ =	shalt  }
0x4b: {  	_ =	shalt  }
0x4c: {  	_ =	shalt  }
0x4d: {  	_ =	shalt  }
0x4e: {  	_ =	shalt  }
0x4f: {  	_ =	shalt  }
0x50: {  	_ =	shalt  }
0x51: {  	_ =	shalt  }
0x52: {  	_ =	shalt  }
0x53: {  	_ =	shalt  }
0x54: {  	_ =	shalt  }
0x55: {  	_ =	shalt  }
0x56: {  	_ =	shalt  }
0x57: {  	_ =	shalt  }
0x58: {  	_ =	shalt  }
0x59: {  	_ =	shalt  }
0x5a: {  	_ =	shalt  }
0x5b: {  	_ =	shalt  }
0x5c: {  	_ =	shalt  }
0x5d: {  	_ =	shalt  }
0x5e: {  	_ =	shalt  }
0x5f: {  	_ =	shalt  }
0x60: {  	_ =	shalt  }
0x61: {  	_ =	shalt  }
0x62: {  	_ =	shalt  }
0x63: {  	_ =	shalt  }
0x64: {  	_ =	shalt  }
0x65: {  	_ =	shalt  }
0x66: {  	_ =	shalt  }
0x67: {  	_ =	shalt  }
0x68: {  	_ =	shalt  }
0x69: {  	_ =	shalt  }
0x6a: {  	_ =	shalt  }
0x6b: {  	_ =	shalt  }
0x6c: {  	_ =	shalt  }
0x6d: {  	_ =	shalt  }
0x6e: {  	_ =	shalt  }
0x6f: {  	_ =	shalt  }
0x70: {  	_ =	shalt  }
0x71: {  	_ =	shalt  }
0x72: {  	_ =	shalt  }
0x73: {  	_ =	shalt  }
0x74: {  	_ =	shalt  }
0x75: {  	_ =	shalt  }
0x76: {  	_ =	shalt  }
0x77: {  	_ =	shalt  }
0x78: {  	_ =	shalt  }
0x79: {  	_ =	shalt  }
0x7a: {  	_ =	shalt  }
0x7b: {  	_ =	shalt  }
0x7c: {  	_ =	shalt  }
0x7d: {  	_ =	shalt  }
0x7e: {  	_ =	shalt  }
0x7f: {  	_ =	shalt  }
0x80: {  	_ =	shalt  }
0x81: {  	_ =	shalt  }
0x82: {  	_ =	shalt  }
0x83: {  	_ =	shalt  }
0x84: {  	_ =	shalt  }
0x85: {  	_ =	shalt  }
0x86: {  	_ =	shalt  }
0x87: {  	_ =	shalt  }
.Lfunc_end0:
.L_simem_size_0:
called_computation_lowered:
.L_overlay_start_0:
0x88: {  	s2 =	sld [smem:$0x3FD9]  }
0x89: {  	s3 =	sld [smem:$0x3FFE];
	_ =	sdelay $0x1  }
0x8a: {  	s1 =	srdreg.scid  }
0x8b: {  	s0 =	sand.u32 $0x1, s1  }
0x8c: {  	s17 =	sshll.u32 s0, $0xA;
	s2 =	sadd.s32 s3, s2  }
0x8d: {  	s2 =	sadd.s32 s2, s17  }
0x8e: {  	[smem:$0x3FC6] =	sst s2  }
0x8f: {  	_ = 	snop  }
0x90: {  	s2 =	sld [smem:$0x3FC8]  }
0x91: {  	s18 =	sld [smem:$0x3FD0];
	(tm) =	ssettm $0x1  }
0x92: {  	s4 =	sld [smem:$0x3FFB];
	_ =	sdelay $0x3  }
0x93: {  	_ =	strace s4  }
0x94: {  	s4 =	sld [smem:$0x3FFC];
	_ =	sdelay $0x3  }
0x95: {  	_ =	strace s4  }
0x96: {  	s4 =	sld [smem:$0x3FFD];
	_ =	sdelay $0x3  }
0x97: {  	_ =	strace s4  }
0x98: {  	_ =	strace $0x8FFFFFFF  }
0x99: {  	s19 =	sld [smem:$0x3FDB];
	_ =	sdelay $0x1  }
0x9a: {  	s5 =	simm.s32 $_scs_section_size  }
0x9b: {  	s6 =	simm.s32 $_size__tile_overlayer_lowered;
	s7 =	simm.s32 $_tile_overlayer_lowered  }
0x9c: {  	s22 =	simm.s32 $0x1BFF;
	s21 =	sshll.u32 s7, $0x1;
	s4 =	sadd.s32 s5, s19  }
0x9d: {  	s8 =	simm.s32 $0x0;
	s20 =	sshll.u32 s6, $0x1;
	s6 =	sadd.s32 s21, s4  }
0x9e: {  	[timem:s8], [sflag:s22] =	dma.local [hbm:s6], s20  }
0x9f: {  	_ =	swait.ge [sflag:s22], s20  }
0xa0: {  	s5 =	ssub.s32 $0x0, s20;
	[sflag:s22] =	ssyncset.done $0x0  }
0xa1: {  	[sflag:s22] =	ssyncadd.s32 s5;
	_ =	sdelay $0x1  }
0xa2: {  	s23 =	simm.s32 $0x1B8B  }
0xa3: {  	_ =	swait.ge [sflag:s23], $0x1  }
0xa4: {  	[sflag:s23] =	ssyncset.done $0x0  }
0xa5: {  	s25 =	simm.s32 $0x1B8E;
	s24 =	sld [smem:$0x3FFE];
	[sflag:s23] =	ssyncadd.s32 $0xFFFFFFFF  }
0xa6: {  	s26 =	simm.s32 $execute0_lowered;
	[smem:$0x3FD2] =	sst s25  }
0xa7: {  	s6 =	sshll.u32 s26, $0x1;
	_ =	strace $0x80000046;
	[dreg:$0x1] =	wrdreg $0xFFFFFFFF  }
0xa8: {  	s28 =	simm.s32 $_size_execute0_lowered;
	s4 =	sadd.s32 s4, s6;
	[dreg:$0x0] =	wrdreg $0x0  }
0xa9: {  	s6 =	sshll.u32 s28, $0x1;
	[dreg:$0x2] =	wrdreg s4  }
0xaa: {  	[dreg:$0x3] =	wrdreg s6  }
0xab: {  	[dreg:$0x4] =	wrdreg $0xC0  }
0xac: {  	_ =	task [dreg:s8], $0x5FFFF  }
0xad: {  	[dreg:$0x1] =	wrdreg $0xFFFFFFFF  }
0xae: {  	[dreg:$0x0] =	wrdreg $0x60  }
0xaf: {  	[dreg:$0x2] =	wrdreg s24  }
0xb0: {  	[dreg:$0x3] =	wrdreg s2  }
0xb1: {  	[dreg:$0x4] =	wrdreg s18  }
0xb2: {  	[dreg:$0x5] =	wrdreg $0x9  }
0xb3: {  	_ =	task.clear_ibuf [dreg:s8], $0x6FFFF;
	_ =	strace $0x90000046  }
0xb4: {  	s29 =	simm.s32 $0x9;
	_ =	strace $0x80000048  }
0xb5: {  	_ =	swait.ge [sflag:s29], $0x1  }
0xb6: {  	[sflag:s29] =	ssyncadd.s32 $0xFFFFFFFF  }
0xb7: {  	_ =	strace $0x90000048  }
0xb8: {  	_ =	sfence  }
0xb9: {  	s30 =	sld [smem:$0x0];
	_ =	sdelay $0x2  }
0xba: {  	s31 =	sshll.u32 s1, $0xD;
	s1 =	sshrl.u32 s1, $0x2  }
0xbb: {  	s3 =	sand.u32 $0x4000, s31;
	s1 =	sadd.s32 s1, s30  }
0xbc: {  	s0 =	sor.u32 s3, s0;
	s1 =	sshll.u32 s1, $0x11  }
0xbd: {  	s0 =	sor.u32 s1, s0  }
0xbe: {  	s0 =	sadd.s32 $0x8F2B, s0  }
0xbf: {  	[sflag:s0] =	ssyncadd.remote.s32 $0x1  }
0xc0: {  	_ =	sfence.sel $0xFFFF  }
0xc1: {  	[dreg:$0x0] =	wrdreg $0xFFFFFFFF;
	(pc) =	sbr.abs _section_cstart, $3  }
0xc2: {  	[dreg:$0x1] =	wrdreg $0xFFFFFFFF  }
0xc3: {  	_ =	task.clear_ibuf [dreg:s8], $0x2FFFF;
	_ =	strace $0x9FFFFFFF  }
0xc4: {  	(tm) =	ssettm $0x7FFFFFFF  }
0xc5: {  	_ =	shalt  }
tec
execute0_lowered:
.L_overlay_start_1:
0x0: {  	(tag) =	ssettag $0x1  }
0x1: {  	s0 =	rddreg [dreg:$0x0];
	s1 =	srdreg.scid  }
0x2: {  	s3 =	stileid.u32;
	s2 =	rddreg [dreg:$0x1]  }
0x3: {  	s11 =	simm.s32 $0x80;
	s12 =	simm.s32 $0x6400;
	s13 =	simm.s32 $0xA400  }
0x4: {  	s15 =	simm.s32 $0xE400;
	s16 =	simm.s32 $0x12400;
	s17 =	simm.s32 $0x1  }
0x5: {  	s18 =	simm.s32 $0x16400;
	s19 =	simm.s32 $0x2;
	s20 =	simm.s32 $0x3  }
0x6: {  	s21 =	simm.s32 $0x4;
	s22 =	simm.s32 $0x5;
	s23 =	simm.s32 $0x6  }
0x7: {  	s24 =	simm.s32 $0x7;
	s25 =	simm.s32 $0x8;
	s26 =	simm.s32 $0x9  }
0x8: {  	s28 =	simm.s32 $0xA;
	s1 =	sand.u32 $0x1, s1;
	s4 =	sshll.u32 s3, $0x1  }
0x9: {  	s3 =	rddreg [dreg:$0x2];
	s5 =	sor.u32 s1, s4;
	s1 =	ssub.s32 $0x2, s1  }
0xa: {  	s4 =	simm.s32 $0x0;
	s6 =	smul.u32 $0xC80, s5;
	s30 =	sshrl.u32 s1, $0x1  }
0xb: {  	s29 =	simm.s32 $0x0;
	[smem:$0x7FF] =	sst s4;
	s1 =	ssub.s32 s1, s30  }
0xc: {  	s5 =	smul.u32 $0x6400, s5;
	s0 =	sadd.s32 s6, s0;
	s31 =	smax.u32 s1, $0x1  }
0xd: {  	_ =	strace $0x80000047;
	s0 =	sadd.s32 $0x400, s0;
	[dreg:$0x5] =	wrdreg s31  }
0xe: {  	s7 =	sor.u32 $0x80, s5;
	s8 =	sor.u32 $0x100, s5;
	[dreg:$0x4] =	wrdreg s0  }
.LBB2_1:
0xf: {  	s0 =	rddreg [dreg:$0x4];
	s14 =	simm.s32 $0xB  }
0x10: {  	[tilespmem:s4], [sflag:$0xB] =	stream.linear.gather [hbm4b:s0+s4], $0x6400, $0x38;
	[tilespmem:$0x1A400] =	vst v63  }
0x11: {  	_ =	swait.ge [sflag:s14], $0x6400  }
0x12: {  	[sflag:s14] =	ssyncset.done $0x0  }
0x13: {  	[sflag:s14] =	ssyncadd.s32 $0xFFFF9C00  }
0x14: {  	[tilespmem:s12], [sflag:$0x1] =	stream.indirect.gather [hbm4b:s2+s11], $0x80, s4, s11, $0xb8;
	[tilespmem:$0x1A400] =	vst v63  }
0x15: {  	_ = 	snop  }
0x16: {  	[tilespmem:s13], [sflag:$0x2] =	stream.indirect.gather [hbm4b:s2+s11], $0x80, s11, s11, $0xb8;
	[tilespmem:$0x1A400] =	vst v63  }
0x17: {  	s31 =	simm.s32 $0x100;
	s30 =	simm.s32 $0x0  }
0x18: {  	[tilespmem:s15], [sflag:$0x3] =	stream.indirect.gather [hbm4b:s2+s11], $0x80, s31, s11, $0xb8;
	[tilespmem:$0x1A400] =	vst v63  }
.LBB2_2:
0x19: {  	p0 =	seq.s32 s30, $0x0  }
0x1a: {  	s1 =	simm.s32 @!p0 $0x9  }
0x1b: {  	s0 =	smul.u32 $0x280, s30;
	_ =	swait.ge @!p0 [sflag:s1], $0x4000  }
0x1c: {  	[sflag:s1] =	ssyncset.done @!p0 $0x0  }
0x1d: {  	[sflag:s1] =	ssyncadd.s32 @!p0 $0xFFFFC000;
	s1 =	sadd.s32 $0x180, s0  }
0x1e: {  	[tilespmem:s16], [sflag:$0x4] =	stream.indirect.gather [hbm4b:s2+s11], $0x80, s1, s11, $0xb8;
	[tilespmem:$0x1A400] =	vst v63  }
0x1f: {  	_ =	swait.ge [sflag:s17], $0x4000  }
0x20: {  	[sflag:s17] =	ssyncset.done $0x0  }
0x21: {  	s14 =	simm.s32 $0x6480;
	[sflag:s17] =	ssyncadd.s32 $0xFFFFC000  }
0x22: {  	v0 =	vld [tilespmem:s14+$0xFFFFFF80]  }
0x23: {  	v1 =	vld [tilespmem:s14+$0xFFFFFF90]  }
0x24: {  	v2 =	vld [tilespmem:s14+$0xFFFFFFA0]  }
0x25: {  	v3 =	vld [tilespmem:s14+$0xFFFFFFB0]  }
0x26: {  	v4 =	vld [tilespmem:s14+$0xFFFFFFC0]  }
0x27: {  	v5 =	vld [tilespmem:s14+$0xFFFFFFD0];
	v0 =	vmul.f32 $1.131370830e+01, v0  }
0x28: {  	v6 =	vld [tilespmem:s14+$0xFFFFFFE0];
	v1 =	vmul.f32 $1.131370830e+01, v1  }
0x29: {  	[tilespmem:s14+$0xFFFFFF80] =	vst v0;
	v0 =	vmul.f32 $1.131370830e+01, v2;
	v2 =	vld [tilespmem:s14+$0x0]  }
0x2a: {  	[tilespmem:s14+$0xFFFFFF90] =	vst v1;
	v1 =	vmul.f32 $1.131370830e+01, v3;
	v3 =	vld [tilespmem:s14+$0x10]  }
0x2b: {  	[tilespmem:s14+$0xFFFFFFA0] =	vst v0;
	v0 =	vmul.f32 $1.131370830e+01, v4;
	v4 =	vld [tilespmem:s14+$0x20]  }
0x2c: {  	v7 =	vld [tilespmem:s14+$0x30];
	[tilespmem:s14+$0xFFFFFFB0] =	vst v1;
	v1 =	vmul.f32 $1.131370830e+01, v5  }
0x2d: {  	v5 =	vmul.f32 $1.131370830e+01, v6;
	[tilespmem:s14+$0xFFFFFFC0] =	vst v0;
	v0 =	vld [tilespmem:s14+$0x40]  }
0x2e: {  	[tilespmem:s14+$0xFFFFFFD0] =	vst v1;
	v1 =	vld [tilespmem:s14+$0x50];
	v2 =	vmul.f32 $1.131370830e+01, v2  }
0x2f: {  	[tilespmem:s14+$0xFFFFFFE0] =	vst v5;
	v6 =	vmul.f32 $1.131370830e+01, v3;
	v3 =	vld [tilespmem:s14+$0x60]  }
0x30: {  	[tilespmem:s14+$0x0] =	vst v2;
	v5 =	vmul.f32 $1.131370830e+01, v4;
	v4 =	vld [tilespmem:s14+$0x70]  }
0x31: {  	s6 =	simm.s32 $0x0;
	s9 =	simm.s32 $0x6580;
	v2 =	vld [tilespmem:s14+$0xFFFFFFF0];
	[tilespmem:s14+$0x10] =	vst v6;
	v6 =	vmul.f32 $1.131370830e+01, v7  }
.LBB2_3:
0x32: {  	v7 =	vld [tilespmem:s9+$0xFFFFFF80];
	[tilespmem:s14+$0x20] =	vst v5;
	v0 =	vmul.f32 $1.131370830e+01, v0  }
0x33: {  	v5 =	vld [tilespmem:s9+$0xFFFFFF90];
	[tilespmem:s14+$0x30] =	vst v6;
	v1 =	vmul.f32 $1.131370830e+01, v1  }
0x34: {  	v6 =	vld [tilespmem:s9+$0xFFFFFFA0];
	[tilespmem:s14+$0x40] =	vst v0;
	v0 =	vmul.f32 $1.131370830e+01, v3  }
0x35: {  	v3 =	vld [tilespmem:s9+$0xFFFFFFB0];
	[tilespmem:s14+$0x50] =	vst v1;
	v1 =	vmul.f32 $1.131370830e+01, v4  }
0x36: {  	v4 =	vld [tilespmem:s9+$0xFFFFFFC0];
	v2 =	vmul.f32 $1.131370830e+01, v2;
	[tilespmem:s14+$0x60] =	vst v0  }
0x37: {  	v0 =	vmul.f32 $1.131370830e+01, v7;
	v7 =	vld [tilespmem:s9+$0xFFFFFFD0];
	[tilespmem:s14+$0x70] =	vst v1  }
0x38: {  	v1 =	vmul.f32 $1.131370830e+01, v5;
	v5 =	vld [tilespmem:s9+$0xFFFFFFE0];
	[tilespmem:s14+$0xFFFFFFF0] =	vst v2;
	s14 =	smov.u32 s9  }
0x39: {  	[tilespmem:s9+$0xFFFFFF80] =	vst v0;
	v0 =	vmul.f32 $1.131370830e+01, v6;
	v2 =	vld [tilespmem:s9+$0x0]  }
0x3a: {  	[tilespmem:s9+$0xFFFFFF90] =	vst v1;
	v1 =	vmul.f32 $1.131370830e+01, v3;
	v3 =	vld [tilespmem:s9+$0x10]  }
0x3b: {  	s6 =	sadd.s32 $0x2, s6;
	[tilespmem:s9+$0xFFFFFFA0] =	vst v0;
	v0 =	vmul.f32 $1.131370830e+01, v4;
	v4 =	vld [tilespmem:s9+$0x20]  }
0x3c: {  	p1 =	slt.u32 s6, $0x7E;
	[tilespmem:s9+$0xFFFFFFB0] =	vst v1;
	v1 =	vmul.f32 $1.131370830e+01, v7;
	v6 =	vld [tilespmem:s9+$0x30]  }
.Ltmp0:
0x3d: {  	[tilespmem:s9+$0xFFFFFFC0] =	vst v0;
	v5 =	vmul.f32 $1.131370830e+01, v5;
	v0 =	vld [tilespmem:s9+$0x40];
	(pc) =	sbr.rel @p1 .LBB2_3-.Ltmp0, $4  }
0x3e: {  	[tilespmem:s9+$0xFFFFFFD0] =	vst v1;
	v2 =	vmul.f32 $1.131370830e+01, v2;
	v1 =	vld [tilespmem:s9+$0x50]  }
0x3f: {  	[tilespmem:s9+$0xFFFFFFE0] =	vst v5;
	v7 =	vmul.f32 $1.131370830e+01, v3;
	v3 =	vld [tilespmem:s9+$0x60]  }
0x40: {  	[tilespmem:s9+$0x0] =	vst v2;
	v5 =	vmul.f32 $1.131370830e+01, v4;
	v4 =	vld [tilespmem:s9+$0x70]  }
0x41: {  	s9 =	sadd.s32 $0x100, s9;
	v2 =	vld [tilespmem:s14+$0xFFFFFFF0];
	[tilespmem:s14+$0x10] =	vst v7;
	v6 =	vmul.f32 $1.131370830e+01, v6  }
0x42: {  	[tilespmem:s14+$0x20] =	vst v5;
	v0 =	vmul.f32 $1.131370830e+01, v0  }
0x43: {  	[tilespmem:s14+$0x30] =	vst v6;
	v1 =	vmul.f32 $1.131370830e+01, v1  }
0x44: {  	[tilespmem:s14+$0x40] =	vst v0;
	v0 =	vmul.f32 $1.131370830e+01, v3  }
0x45: {  	[tilespmem:s14+$0x50] =	vst v1;
	v1 =	vmul.f32 $1.131370830e+01, v4  }
0x46: {  	s6 =	sadd.s32 s5, s0;
	v2 =	vmul.f32 $1.131370830e+01, v2;
	[tilespmem:s14+$0x60] =	vst v0  }
0x47: {  	s6 =	sshll.u32 s6, $0x4;
	[tilespmem:s14+$0x70] =	vst v1  }
0x48: {  	s6 =	sadd.s32 s3, s6;
	[tilespmem:s14+$0xFFFFFFF0] =	vst v2  }
0x49: {  	[hbm4b:s6+s4] =	stream.linear.scatter [tilespmem:s12], [sflag:$0x6], $0x4000, $0x38;
	[tilespmem:$0x1A400] =	vst v63  }
0x4a: {  	s6 =	simm.s32 @!p0 $0xA  }
0x4b: {  	_ =	swait.ge @!p0 [sflag:s6], $0x4000  }
0x4c: {  	[sflag:s6] =	ssyncset.done @!p0 $0x0  }
0x4d: {  	s31 =	sadd.s32 $0x200, s0;
	[sflag:s6] =	ssyncadd.s32 @!p0 $0xFFFFC000  }
0x4e: {  	[tilespmem:s18], [sflag:$0x5] =	stream.indirect.gather [hbm4b:s2+s11], $0x80, s31, s11, $0xb8;
	[tilespmem:$0x1A400] =	vst v63  }
0x4f: {  	_ =	swait.ge [sflag:s19], $0x4000  }
0x50: {  	[sflag:s19] =	ssyncset.done $0x0  }
0x51: {  	s14 =	simm.s32 $0xA480;
	[sflag:s19] =	ssyncadd.s32 $0xFFFFC000  }
0x52: {  	v0 =	vld [tilespmem:s14+$0xFFFFFF80]  }
0x53: {  	v1 =	vld [tilespmem:s14+$0xFFFFFF90]  }
0x54: {  	v2 =	vld [tilespmem:s14+$0xFFFFFFA0]  }
0x55: {  	v3 =	vld [tilespmem:s14+$0xFFFFFFB0]  }
0x56: {  	v4 =	vld [tilespmem:s14+$0xFFFFFFC0]  }
0x57: {  	v5 =	vld [tilespmem:s14+$0xFFFFFFD0];
	v0 =	vmul.f32 $1.131370830e+01, v0  }
0x58: {  	v6 =	vld [tilespmem:s14+$0xFFFFFFE0];
	v1 =	vmul.f32 $1.131370830e+01, v1  }
0x59: {  	[tilespmem:s14+$0xFFFFFF80] =	vst v0;
	v0 =	vmul.f32 $1.131370830e+01, v2;
	v2 =	vld [tilespmem:s14+$0x0]  }
0x5a: {  	[tilespmem:s14+$0xFFFFFF90] =	vst v1;
	v1 =	vmul.f32 $1.131370830e+01, v3;
	v3 =	vld [tilespmem:s14+$0x10]  }
0x5b: {  	[tilespmem:s14+$0xFFFFFFA0] =	vst v0;
	v0 =	vmul.f32 $1.131370830e+01, v4;
	v4 =	vld [tilespmem:s14+$0x20]  }
0x5c: {  	v7 =	vld [tilespmem:s14+$0x30];
	[tilespmem:s14+$0xFFFFFFB0] =	vst v1;
	v1 =	vmul.f32 $1.131370830e+01, v5  }
0x5d: {  	v5 =	vmul.f32 $1.131370830e+01, v6;
	[tilespmem:s14+$0xFFFFFFC0] =	vst v0;
	v0 =	vld [tilespmem:s14+$0x40]  }
0x5e: {  	[tilespmem:s14+$0xFFFFFFD0] =	vst v1;
	v1 =	vld [tilespmem:s14+$0x50];
	v2 =	vmul.f32 $1.131370830e+01, v2  }
0x5f: {  	[tilespmem:s14+$0xFFFFFFE0] =	vst v5;
	v6 =	vmul.f32 $1.131370830e+01, v3;
	v3 =	vld [tilespmem:s14+$0x60]  }
0x60: {  	[tilespmem:s14+$0x0] =	vst v2;
	v5 =	vmul.f32 $1.131370830e+01, v4;
	v4 =	vld [tilespmem:s14+$0x70]  }
0x61: {  	s9 =	simm.s32 $0xA580;
	s6 =	simm.s32 $0x0;
	v2 =	vld [tilespmem:s14+$0xFFFFFFF0];
	[tilespmem:s14+$0x10] =	vst v6;
	v6 =	vmul.f32 $1.131370830e+01, v7  }
.LBB2_5:
0x62: {  	v7 =	vld [tilespmem:s9+$0xFFFFFF80];
	[tilespmem:s14+$0x20] =	vst v5;
	v0 =	vmul.f32 $1.131370830e+01, v0  }
0x63: {  	v5 =	vld [tilespmem:s9+$0xFFFFFF90];
	[tilespmem:s14+$0x30] =	vst v6;
	v1 =	vmul.f32 $1.131370830e+01, v1  }
0x64: {  	v6 =	vld [tilespmem:s9+$0xFFFFFFA0];
	[tilespmem:s14+$0x40] =	vst v0;
	v0 =	vmul.f32 $1.131370830e+01, v3  }
0x65: {  	v3 =	vld [tilespmem:s9+$0xFFFFFFB0];
	[tilespmem:s14+$0x50] =	vst v1;
	v1 =	vmul.f32 $1.131370830e+01, v4  }
0x66: {  	v4 =	vld [tilespmem:s9+$0xFFFFFFC0];
	v2 =	vmul.f32 $1.131370830e+01, v2;
	[tilespmem:s14+$0x60] =	vst v0  }
0x67: {  	v0 =	vmul.f32 $1.131370830e+01, v7;
	v7 =	vld [tilespmem:s9+$0xFFFFFFD0];
	[tilespmem:s14+$0x70] =	vst v1  }
0x68: {  	v1 =	vmul.f32 $1.131370830e+01, v5;
	v5 =	vld [tilespmem:s9+$0xFFFFFFE0];
	[tilespmem:s14+$0xFFFFFFF0] =	vst v2;
	s14 =	smov.u32 s9  }
0x69: {  	[tilespmem:s9+$0xFFFFFF80] =	vst v0;
	v0 =	vmul.f32 $1.131370830e+01, v6;
	v2 =	vld [tilespmem:s9+$0x0]  }
0x6a: {  	[tilespmem:s9+$0xFFFFFF90] =	vst v1;
	v1 =	vmul.f32 $1.131370830e+01, v3;
	v3 =	vld [tilespmem:s9+$0x10]  }
0x6b: {  	s6 =	sadd.s32 $0x2, s6;
	[tilespmem:s9+$0xFFFFFFA0] =	vst v0;
	v0 =	vmul.f32 $1.131370830e+01, v4;
	v4 =	vld [tilespmem:s9+$0x20]  }
0x6c: {  	p0 =	slt.u32 s6, $0x7E;
	[tilespmem:s9+$0xFFFFFFB0] =	vst v1;
	v1 =	vmul.f32 $1.131370830e+01, v7;
	v6 =	vld [tilespmem:s9+$0x30]  }
.Ltmp1:
0x6d: {  	[tilespmem:s9+$0xFFFFFFC0] =	vst v0;
	v5 =	vmul.f32 $1.131370830e+01, v5;
	v0 =	vld [tilespmem:s9+$0x40];
	(pc) =	sbr.rel @p0 .LBB2_5-.Ltmp1, $4  }
0x6e: {  	[tilespmem:s9+$0xFFFFFFD0] =	vst v1;
	v2 =	vmul.f32 $1.131370830e+01, v2;
	v1 =	vld [tilespmem:s9+$0x50]  }
0x6f: {  	[tilespmem:s9+$0xFFFFFFE0] =	vst v5;
	v7 =	vmul.f32 $1.131370830e+01, v3;
	v3 =	vld [tilespmem:s9+$0x60]  }
0x70: {  	[tilespmem:s9+$0x0] =	vst v2;
	v5 =	vmul.f32 $1.131370830e+01, v4;
	v4 =	vld [tilespmem:s9+$0x70]  }
0x71: {  	s9 =	sadd.s32 $0x100, s9;
	v2 =	vld [tilespmem:s14+$0xFFFFFFF0];
	[tilespmem:s14+$0x10] =	vst v7;
	v6 =	vmul.f32 $1.131370830e+01, v6  }
0x72: {  	[tilespmem:s14+$0x20] =	vst v5;
	v0 =	vmul.f32 $1.131370830e+01, v0  }
0x73: {  	[tilespmem:s14+$0x30] =	vst v6;
	v1 =	vmul.f32 $1.131370830e+01, v1  }
0x74: {  	[tilespmem:s14+$0x40] =	vst v0;
	v0 =	vmul.f32 $1.131370830e+01, v3  }
0x75: {  	[tilespmem:s14+$0x50] =	vst v1;
	v1 =	vmul.f32 $1.131370830e+01, v4  }
0x76: {  	s6 =	sadd.s32 s0, s7;
	v2 =	vmul.f32 $1.131370830e+01, v2;
	[tilespmem:s14+$0x60] =	vst v0  }
0x77: {  	s6 =	sshll.u32 s6, $0x4;
	[tilespmem:s14+$0x70] =	vst v1  }
0x78: {  	p0 =	seq.s32 s30, $0x27;
	s6 =	sadd.s32 s3, s6;
	[tilespmem:s14+$0xFFFFFFF0] =	vst v2  }
0x79: {  	[hbm4b:s6+s4] =	stream.linear.scatter [tilespmem:s13], [sflag:$0x7], $0x4000, $0x38;
	[tilespmem:$0x1A400] =	vst v63  }
0x7a: {  	s9 =	smul.u32 @!p0 $0xA00, s30;
	s6 =	simm.s32 @!p0 $0x6  }
0x7b: {  	_ =	swait.ge @!p0 [sflag:s6], $0x4000  }
0x7c: {  	s10 =	simm.s32 @!p0 $0x6400;
	s14 =	sshra.s32 @!p0 s9, $0x2;
	[sflag:s6] =	ssyncset.done @!p0 $0x0  }
0x7d: {  	s9 =	simm.s32 @!p0 $0x80;
	[sflag:s6] =	ssyncadd.s32 @!p0 $0xFFFFC000;
	s6 =	sadd.s32 @!p0 $0x280, s14  }
0x7e: {  	[tilespmem:s10], [sflag:$0x1] =	stream.indirect.gather @!p0 [hbm4b:s2+s9], $0x80, s6, s9, $0xb8;
	[tilespmem:$0x1A400] =	vst v63  }
0x7f: {  	_ =	swait.ge [sflag:s20], $0x4000  }
0x80: {  	[sflag:s20] =	ssyncset.done $0x0  }
0x81: {  	s6 =	simm.s32 $0xE480;
	[sflag:s20] =	ssyncadd.s32 $0xFFFFC000  }
0x82: {  	v0 =	vld [tilespmem:s6+$0xFFFFFF80]  }
0x83: {  	v1 =	vld [tilespmem:s6+$0xFFFFFF90]  }
0x84: {  	v2 =	vld [tilespmem:s6+$0xFFFFFFA0]  }
0x85: {  	v3 =	vld [tilespmem:s6+$0xFFFFFFB0]  }
0x86: {  	v4 =	vld [tilespmem:s6+$0xFFFFFFC0]  }
0x87: {  	v5 =	vld [tilespmem:s6+$0xFFFFFFD0];
	v0 =	vmul.f32 $1.131370830e+01, v0  }
0x88: {  	v6 =	vld [tilespmem:s6+$0xFFFFFFE0];
	v1 =	vmul.f32 $1.131370830e+01, v1  }
0x89: {  	[tilespmem:s6+$0xFFFFFF80] =	vst v0;
	v0 =	vmul.f32 $1.131370830e+01, v2;
	v2 =	vld [tilespmem:s6+$0x0]  }
0x8a: {  	[tilespmem:s6+$0xFFFFFF90] =	vst v1;
	v1 =	vmul.f32 $1.131370830e+01, v3;
	v3 =	vld [tilespmem:s6+$0x10]  }
0x8b: {  	[tilespmem:s6+$0xFFFFFFA0] =	vst v0;
	v0 =	vmul.f32 $1.131370830e+01, v4;
	v4 =	vld [tilespmem:s6+$0x20]  }
0x8c: {  	v7 =	vld [tilespmem:s6+$0x30];
	[tilespmem:s6+$0xFFFFFFB0] =	vst v1;
	v1 =	vmul.f32 $1.131370830e+01, v5  }
0x8d: {  	v5 =	vmul.f32 $1.131370830e+01, v6;
	[tilespmem:s6+$0xFFFFFFC0] =	vst v0;
	v0 =	vld [tilespmem:s6+$0x40]  }
0x8e: {  	[tilespmem:s6+$0xFFFFFFD0] =	vst v1;
	v1 =	vld [tilespmem:s6+$0x50];
	v2 =	vmul.f32 $1.131370830e+01, v2  }
0x8f: {  	[tilespmem:s6+$0xFFFFFFE0] =	vst v5;
	v6 =	vmul.f32 $1.131370830e+01, v3;
	v3 =	vld [tilespmem:s6+$0x60]  }
0x90: {  	[tilespmem:s6+$0x0] =	vst v2;
	v5 =	vmul.f32 $1.131370830e+01, v4;
	v4 =	vld [tilespmem:s6+$0x70]  }
0x91: {  	s9 =	simm.s32 $0x0;
	s10 =	simm.s32 $0xE580;
	v2 =	vld [tilespmem:s6+$0xFFFFFFF0];
	[tilespmem:s6+$0x10] =	vst v6;
	v6 =	vmul.f32 $1.131370830e+01, v7  }
.LBB2_7:
0x92: {  	v7 =	vld [tilespmem:s10+$0xFFFFFF80];
	[tilespmem:s6+$0x20] =	vst v5;
	v0 =	vmul.f32 $1.131370830e+01, v0  }
0x93: {  	v5 =	vld [tilespmem:s10+$0xFFFFFF90];
	[tilespmem:s6+$0x30] =	vst v6;
	v1 =	vmul.f32 $1.131370830e+01, v1  }
0x94: {  	v6 =	vld [tilespmem:s10+$0xFFFFFFA0];
	[tilespmem:s6+$0x40] =	vst v0;
	v0 =	vmul.f32 $1.131370830e+01, v3  }
0x95: {  	v3 =	vld [tilespmem:s10+$0xFFFFFFB0];
	[tilespmem:s6+$0x50] =	vst v1;
	v1 =	vmul.f32 $1.131370830e+01, v4  }
0x96: {  	v4 =	vld [tilespmem:s10+$0xFFFFFFC0];
	v2 =	vmul.f32 $1.131370830e+01, v2;
	[tilespmem:s6+$0x60] =	vst v0  }
0x97: {  	v0 =	vmul.f32 $1.131370830e+01, v7;
	v7 =	vld [tilespmem:s10+$0xFFFFFFD0];
	[tilespmem:s6+$0x70] =	vst v1  }
0x98: {  	v1 =	vmul.f32 $1.131370830e+01, v5;
	v5 =	vld [tilespmem:s10+$0xFFFFFFE0];
	[tilespmem:s6+$0xFFFFFFF0] =	vst v2;
	s6 =	smov.u32 s10  }
0x99: {  	[tilespmem:s10+$0xFFFFFF80] =	vst v0;
	v0 =	vmul.f32 $1.131370830e+01, v6;
	v2 =	vld [tilespmem:s10+$0x0]  }
0x9a: {  	[tilespmem:s10+$0xFFFFFF90] =	vst v1;
	v1 =	vmul.f32 $1.131370830e+01, v3;
	v3 =	vld [tilespmem:s10+$0x10]  }
0x9b: {  	s9 =	sadd.s32 $0x2, s9;
	[tilespmem:s10+$0xFFFFFFA0] =	vst v0;
	v0 =	vmul.f32 $1.131370830e+01, v4;
	v4 =	vld [tilespmem:s10+$0x20]  }
0x9c: {  	p1 =	slt.u32 s9, $0x7E;
	[tilespmem:s10+$0xFFFFFFB0] =	vst v1;
	v1 =	vmul.f32 $1.131370830e+01, v7;
	v6 =	vld [tilespmem:s10+$0x30]  }
.Ltmp2:
0x9d: {  	[tilespmem:s10+$0xFFFFFFC0] =	vst v0;
	v5 =	vmul.f32 $1.131370830e+01, v5;
	v0 =	vld [tilespmem:s10+$0x40];
	(pc) =	sbr.rel @p1 .LBB2_7-.Ltmp2, $4  }
0x9e: {  	[tilespmem:s10+$0xFFFFFFD0] =	vst v1;
	v2 =	vmul.f32 $1.131370830e+01, v2;
	v1 =	vld [tilespmem:s10+$0x50]  }
0x9f: {  	[tilespmem:s10+$0xFFFFFFE0] =	vst v5;
	v7 =	vmul.f32 $1.131370830e+01, v3;
	v3 =	vld [tilespmem:s10+$0x60]  }
0xa0: {  	[tilespmem:s10+$0x0] =	vst v2;
	v5 =	vmul.f32 $1.131370830e+01, v4;
	v4 =	vld [tilespmem:s10+$0x70]  }
0xa1: {  	s10 =	sadd.s32 $0x100, s10;
	v2 =	vld [tilespmem:s6+$0xFFFFFFF0];
	[tilespmem:s6+$0x10] =	vst v7;
	v6 =	vmul.f32 $1.131370830e+01, v6  }
0xa2: {  	[tilespmem:s6+$0x20] =	vst v5;
	v0 =	vmul.f32 $1.131370830e+01, v0  }
0xa3: {  	[tilespmem:s6+$0x30] =	vst v6;
	v1 =	vmul.f32 $1.131370830e+01, v1  }
0xa4: {  	[tilespmem:s6+$0x40] =	vst v0;
	v0 =	vmul.f32 $1.131370830e+01, v3  }
0xa5: {  	[tilespmem:s6+$0x50] =	vst v1;
	v1 =	vmul.f32 $1.131370830e+01, v4  }
0xa6: {  	s0 =	sadd.s32 s0, s8;
	v2 =	vmul.f32 $1.131370830e+01, v2;
	[tilespmem:s6+$0x60] =	vst v0  }
0xa7: {  	s0 =	sshll.u32 s0, $0x4;
	[tilespmem:s6+$0x70] =	vst v1  }
0xa8: {  	s0 =	sadd.s32 s3, s0;
	[tilespmem:s6+$0xFFFFFFF0] =	vst v2  }
0xa9: {  	[hbm4b:s0+s4] =	stream.linear.scatter [tilespmem:s15], [sflag:$0x8], $0x4000, $0x38;
	[tilespmem:$0x1A400] =	vst v63  }
0xaa: {  	s0 =	simm.s32 @!p0 $0x7  }
0xab: {  	_ =	swait.ge @!p0 [sflag:s0], $0x4000  }
0xac: {  	s9 =	simm.s32 @!p0 $0xA400;
	[sflag:s0] =	ssyncset.done @!p0 $0x0  }
0xad: {  	s6 =	simm.s32 @!p0 $0x80;
	[sflag:s0] =	ssyncadd.s32 @!p0 $0xFFFFC000;
	s0 =	sadd.s32 @!p0 $0x300, s14  }
0xae: {  	[tilespmem:s9], [sflag:$0x2] =	stream.indirect.gather @!p0 [hbm4b:s2+s6], $0x80, s0, s6, $0xb8;
	[tilespmem:$0x1A400] =	vst v63  }
0xaf: {  	_ =	swait.ge [sflag:s21], $0x4000  }
0xb0: {  	[sflag:s21] =	ssyncset.done $0x0  }
0xb1: {  	s0 =	simm.s32 $0x12480;
	[sflag:s21] =	ssyncadd.s32 $0xFFFFC000  }
0xb2: {  	v0 =	vld [tilespmem:s0+$0xFFFFFF80]  }
0xb3: {  	v1 =	vld [tilespmem:s0+$0xFFFFFF90]  }
0xb4: {  	v2 =	vld [tilespmem:s0+$0xFFFFFFA0]  }
0xb5: {  	v3 =	vld [tilespmem:s0+$0xFFFFFFB0]  }
0xb6: {  	v4 =	vld [tilespmem:s0+$0xFFFFFFC0]  }
0xb7: {  	v5 =	vld [tilespmem:s0+$0xFFFFFFD0];
	v0 =	vmul.f32 $1.131370830e+01, v0  }
0xb8: {  	v6 =	vld [tilespmem:s0+$0xFFFFFFE0];
	v1 =	vmul.f32 $1.131370830e+01, v1  }
0xb9: {  	[tilespmem:s0+$0xFFFFFF80] =	vst v0;
	v0 =	vmul.f32 $1.131370830e+01, v2;
	v2 =	vld [tilespmem:s0+$0x0]  }
0xba: {  	[tilespmem:s0+$0xFFFFFF90] =	vst v1;
	v1 =	vmul.f32 $1.131370830e+01, v3;
	v3 =	vld [tilespmem:s0+$0x10]  }
0xbb: {  	[tilespmem:s0+$0xFFFFFFA0] =	vst v0;
	v0 =	vmul.f32 $1.131370830e+01, v4;
	v4 =	vld [tilespmem:s0+$0x20]  }
0xbc: {  	v7 =	vld [tilespmem:s0+$0x30];
	[tilespmem:s0+$0xFFFFFFB0] =	vst v1;
	v1 =	vmul.f32 $1.131370830e+01, v5  }
0xbd: {  	v5 =	vmul.f32 $1.131370830e+01, v6;
	[tilespmem:s0+$0xFFFFFFC0] =	vst v0;
	v0 =	vld [tilespmem:s0+$0x40]  }
0xbe: {  	[tilespmem:s0+$0xFFFFFFD0] =	vst v1;
	v1 =	vld [tilespmem:s0+$0x50];
	v2 =	vmul.f32 $1.131370830e+01, v2  }
0xbf: {  	[tilespmem:s0+$0xFFFFFFE0] =	vst v5;
	v6 =	vmul.f32 $1.131370830e+01, v3;
	v3 =	vld [tilespmem:s0+$0x60]  }
0xc0: {  	[tilespmem:s0+$0x0] =	vst v2;
	v5 =	vmul.f32 $1.131370830e+01, v4;
	v4 =	vld [tilespmem:s0+$0x70]  }
0xc1: {  	s6 =	simm.s32 $0x0;
	s9 =	simm.s32 $0x12580;
	v2 =	vld [tilespmem:s0+$0xFFFFFFF0];
	[tilespmem:s0+$0x10] =	vst v6;
	v6 =	vmul.f32 $1.131370830e+01, v7  }
.LBB2_9:
0xc2: {  	v7 =	vld [tilespmem:s9+$0xFFFFFF80];
	[tilespmem:s0+$0x20] =	vst v5;
	v0 =	vmul.f32 $1.131370830e+01, v0  }
0xc3: {  	v5 =	vld [tilespmem:s9+$0xFFFFFF90];
	[tilespmem:s0+$0x30] =	vst v6;
	v1 =	vmul.f32 $1.131370830e+01, v1  }
0xc4: {  	v6 =	vld [tilespmem:s9+$0xFFFFFFA0];
	[tilespmem:s0+$0x40] =	vst v0;
	v0 =	vmul.f32 $1.131370830e+01, v3  }
0xc5: {  	v3 =	vld [tilespmem:s9+$0xFFFFFFB0];
	[tilespmem:s0+$0x50] =	vst v1;
	v1 =	vmul.f32 $1.131370830e+01, v4  }
0xc6: {  	v4 =	vld [tilespmem:s9+$0xFFFFFFC0];
	v2 =	vmul.f32 $1.131370830e+01, v2;
	[tilespmem:s0+$0x60] =	vst v0  }
0xc7: {  	v0 =	vmul.f32 $1.131370830e+01, v7;
	v7 =	vld [tilespmem:s9+$0xFFFFFFD0];
	[tilespmem:s0+$0x70] =	vst v1  }
0xc8: {  	v1 =	vmul.f32 $1.131370830e+01, v5;
	v5 =	vld [tilespmem:s9+$0xFFFFFFE0];
	[tilespmem:s0+$0xFFFFFFF0] =	vst v2;
	s0 =	smov.u32 s9  }
0xc9: {  	[tilespmem:s9+$0xFFFFFF80] =	vst v0;
	v0 =	vmul.f32 $1.131370830e+01, v6;
	v2 =	vld [tilespmem:s9+$0x0]  }
0xca: {  	[tilespmem:s9+$0xFFFFFF90] =	vst v1;
	v1 =	vmul.f32 $1.131370830e+01, v3;
	v3 =	vld [tilespmem:s9+$0x10]  }
0xcb: {  	s6 =	sadd.s32 $0x2, s6;
	[tilespmem:s9+$0xFFFFFFA0] =	vst v0;
	v0 =	vmul.f32 $1.131370830e+01, v4;
	v4 =	vld [tilespmem:s9+$0x20]  }
0xcc: {  	p1 =	slt.u32 s6, $0x7E;
	[tilespmem:s9+$0xFFFFFFB0] =	vst v1;
	v1 =	vmul.f32 $1.131370830e+01, v7;
	v6 =	vld [tilespmem:s9+$0x30]  }
.Ltmp3:
0xcd: {  	[tilespmem:s9+$0xFFFFFFC0] =	vst v0;
	v5 =	vmul.f32 $1.131370830e+01, v5;
	v0 =	vld [tilespmem:s9+$0x40];
	(pc) =	sbr.rel @p1 .LBB2_9-.Ltmp3, $4  }
0xce: {  	[tilespmem:s9+$0xFFFFFFD0] =	vst v1;
	v2 =	vmul.f32 $1.131370830e+01, v2;
	v1 =	vld [tilespmem:s9+$0x50]  }
0xcf: {  	[tilespmem:s9+$0xFFFFFFE0] =	vst v5;
	v7 =	vmul.f32 $1.131370830e+01, v3;
	v3 =	vld [tilespmem:s9+$0x60]  }
0xd0: {  	[tilespmem:s9+$0x0] =	vst v2;
	v5 =	vmul.f32 $1.131370830e+01, v4;
	v4 =	vld [tilespmem:s9+$0x70]  }
0xd1: {  	s9 =	sadd.s32 $0x100, s9;
	v2 =	vld [tilespmem:s0+$0xFFFFFFF0];
	[tilespmem:s0+$0x10] =	vst v7;
	v6 =	vmul.f32 $1.131370830e+01, v6  }
0xd2: {  	[tilespmem:s0+$0x20] =	vst v5;
	v0 =	vmul.f32 $1.131370830e+01, v0  }
0xd3: {  	[tilespmem:s0+$0x30] =	vst v6;
	v1 =	vmul.f32 $1.131370830e+01, v1  }
0xd4: {  	[tilespmem:s0+$0x40] =	vst v0;
	v0 =	vmul.f32 $1.131370830e+01, v3  }
0xd5: {  	[tilespmem:s0+$0x50] =	vst v1;
	v1 =	vmul.f32 $1.131370830e+01, v4  }
0xd6: {  	s1 =	sadd.s32 s5, s1;
	v2 =	vmul.f32 $1.131370830e+01, v2;
	[tilespmem:s0+$0x60] =	vst v0  }
0xd7: {  	s1 =	sshll.u32 s1, $0x4;
	[tilespmem:s0+$0x70] =	vst v1  }
0xd8: {  	s10 =	sadd.s32 s3, s1;
	[tilespmem:s0+$0xFFFFFFF0] =	vst v2;
	s0 =	simm.s32 @!p0 $0x8  }
0xd9: {  	[hbm4b:s10+s4] =	stream.linear.scatter [tilespmem:s16], [sflag:$0x9], $0x4000, $0x38;
	[tilespmem:$0x1A400] =	vst v63  }
0xda: {  	_ =	swait.ge @!p0 [sflag:s0], $0x4000  }
0xdb: {  	s6 =	simm.s32 @!p0 $0xE400;
	[sflag:s0] =	ssyncset.done @!p0 $0x0  }
0xdc: {  	s1 =	simm.s32 @!p0 $0x80;
	[sflag:s0] =	ssyncadd.s32 @!p0 $0xFFFFC000;
	s0 =	sadd.s32 @!p0 $0x380, s14  }
0xdd: {  	[tilespmem:s6], [sflag:$0x3] =	stream.indirect.gather @!p0 [hbm4b:s2+s1], $0x80, s0, s1, $0xb8;
	[tilespmem:$0x1A400] =	vst v63  }
0xde: {  	_ =	swait.ge [sflag:s22], $0x4000  }
0xdf: {  	[sflag:s22] =	ssyncset.done $0x0  }
0xe0: {  	s0 =	simm.s32 $0x16480;
	[sflag:s22] =	ssyncadd.s32 $0xFFFFC000  }
0xe1: {  	v0 =	vld [tilespmem:s0+$0xFFFFFF80]  }
0xe2: {  	v1 =	vld [tilespmem:s0+$0xFFFFFF90]  }
0xe3: {  	v2 =	vld [tilespmem:s0+$0xFFFFFFA0]  }
0xe4: {  	v3 =	vld [tilespmem:s0+$0xFFFFFFB0]  }
0xe5: {  	v4 =	vld [tilespmem:s0+$0xFFFFFFC0]  }
0xe6: {  	v5 =	vld [tilespmem:s0+$0xFFFFFFD0];
	v0 =	vmul.f32 $1.131370830e+01, v0  }
0xe7: {  	v6 =	vld [tilespmem:s0+$0xFFFFFFE0];
	v1 =	vmul.f32 $1.131370830e+01, v1  }
0xe8: {  	[tilespmem:s0+$0xFFFFFF80] =	vst v0;
	v0 =	vmul.f32 $1.131370830e+01, v2;
	v2 =	vld [tilespmem:s0+$0x0]  }
0xe9: {  	[tilespmem:s0+$0xFFFFFF90] =	vst v1;
	v1 =	vmul.f32 $1.131370830e+01, v3;
	v3 =	vld [tilespmem:s0+$0x10]  }
0xea: {  	[tilespmem:s0+$0xFFFFFFA0] =	vst v0;
	v0 =	vmul.f32 $1.131370830e+01, v4;
	v4 =	vld [tilespmem:s0+$0x20]  }
0xeb: {  	v7 =	vld [tilespmem:s0+$0x30];
	[tilespmem:s0+$0xFFFFFFB0] =	vst v1;
	v1 =	vmul.f32 $1.131370830e+01, v5  }
0xec: {  	v5 =	vmul.f32 $1.131370830e+01, v6;
	[tilespmem:s0+$0xFFFFFFC0] =	vst v0;
	v0 =	vld [tilespmem:s0+$0x40]  }
0xed: {  	[tilespmem:s0+$0xFFFFFFD0] =	vst v1;
	v1 =	vld [tilespmem:s0+$0x50];
	v2 =	vmul.f32 $1.131370830e+01, v2  }
0xee: {  	[tilespmem:s0+$0xFFFFFFE0] =	vst v5;
	v6 =	vmul.f32 $1.131370830e+01, v3;
	v3 =	vld [tilespmem:s0+$0x60]  }
0xef: {  	[tilespmem:s0+$0x0] =	vst v2;
	v5 =	vmul.f32 $1.131370830e+01, v4;
	v4 =	vld [tilespmem:s0+$0x70]  }
0xf0: {  	s1 =	simm.s32 $0x0;
	s6 =	simm.s32 $0x16580;
	v2 =	vld [tilespmem:s0+$0xFFFFFFF0];
	[tilespmem:s0+$0x10] =	vst v6;
	v6 =	vmul.f32 $1.131370830e+01, v7  }
.LBB2_11:
0xf1: {  	v7 =	vld [tilespmem:s6+$0xFFFFFF80];
	[tilespmem:s0+$0x20] =	vst v5;
	v0 =	vmul.f32 $1.131370830e+01, v0  }
0xf2: {  	v5 =	vld [tilespmem:s6+$0xFFFFFF90];
	[tilespmem:s0+$0x30] =	vst v6;
	v1 =	vmul.f32 $1.131370830e+01, v1  }
0xf3: {  	v6 =	vld [tilespmem:s6+$0xFFFFFFA0];
	[tilespmem:s0+$0x40] =	vst v0;
	v0 =	vmul.f32 $1.131370830e+01, v3  }
0xf4: {  	v3 =	vld [tilespmem:s6+$0xFFFFFFB0];
	[tilespmem:s0+$0x50] =	vst v1;
	v1 =	vmul.f32 $1.131370830e+01, v4  }
0xf5: {  	v4 =	vld [tilespmem:s6+$0xFFFFFFC0];
	v2 =	vmul.f32 $1.131370830e+01, v2;
	[tilespmem:s0+$0x60] =	vst v0  }
0xf6: {  	v0 =	vmul.f32 $1.131370830e+01, v7;
	v7 =	vld [tilespmem:s6+$0xFFFFFFD0];
	[tilespmem:s0+$0x70] =	vst v1  }
0xf7: {  	v1 =	vmul.f32 $1.131370830e+01, v5;
	v5 =	vld [tilespmem:s6+$0xFFFFFFE0];
	[tilespmem:s0+$0xFFFFFFF0] =	vst v2;
	s0 =	smov.u32 s6  }
0xf8: {  	[tilespmem:s6+$0xFFFFFF80] =	vst v0;
	v0 =	vmul.f32 $1.131370830e+01, v6;
	v2 =	vld [tilespmem:s6+$0x0]  }
0xf9: {  	[tilespmem:s6+$0xFFFFFF90] =	vst v1;
	v1 =	vmul.f32 $1.131370830e+01, v3;
	v3 =	vld [tilespmem:s6+$0x10]  }
0xfa: {  	s1 =	sadd.s32 $0x2, s1;
	[tilespmem:s6+$0xFFFFFFA0] =	vst v0;
	v0 =	vmul.f32 $1.131370830e+01, v4;
	v4 =	vld [tilespmem:s6+$0x20]  }
0xfb: {  	p0 =	slt.u32 s1, $0x7E;
	[tilespmem:s6+$0xFFFFFFB0] =	vst v1;
	v1 =	vmul.f32 $1.131370830e+01, v7;
	v6 =	vld [tilespmem:s6+$0x30]  }
.Ltmp4:
0xfc: {  	[tilespmem:s6+$0xFFFFFFC0] =	vst v0;
	v5 =	vmul.f32 $1.131370830e+01, v5;
	v0 =	vld [tilespmem:s6+$0x40];
	(pc) =	sbr.rel @p0 .LBB2_11-.Ltmp4, $4  }
0xfd: {  	[tilespmem:s6+$0xFFFFFFD0] =	vst v1;
	v2 =	vmul.f32 $1.131370830e+01, v2;
	v1 =	vld [tilespmem:s6+$0x50]  }
0xfe: {  	[tilespmem:s6+$0xFFFFFFE0] =	vst v5;
	v7 =	vmul.f32 $1.131370830e+01, v3;
	v3 =	vld [tilespmem:s6+$0x60]  }
0xff: {  	[tilespmem:s6+$0x0] =	vst v2;
	v5 =	vmul.f32 $1.131370830e+01, v4;
	v4 =	vld [tilespmem:s6+$0x70]  }
0x100: {  	s6 =	sadd.s32 $0x100, s6;
	v2 =	vld [tilespmem:s0+$0xFFFFFFF0];
	[tilespmem:s0+$0x10] =	vst v7;
	v6 =	vmul.f32 $1.131370830e+01, v6  }
0x101: {  	[tilespmem:s0+$0x20] =	vst v5;
	v0 =	vmul.f32 $1.131370830e+01, v0  }
0x102: {  	s30 =	sadd.s32 $0x1, s30;
	[tilespmem:s0+$0x30] =	vst v6;
	v1 =	vmul.f32 $1.131370830e+01, v1  }
0x103: {  	p0 =	sne.s32 s30, $0x28;
	[tilespmem:s0+$0x40] =	vst v0;
	v62 =	vmul.f32 $1.131370830e+01, v3  }
.Ltmp5:
0x104: {  	[tilespmem:s0+$0x50] =	vst v1;
	v63 =	vmul.f32 $1.131370830e+01, v4;
	(pc) =	sbr.rel @p0 .LBB2_2-.Ltmp5, $4  }
0x105: {  	s1 =	sadd.s32 s5, s31;
	v2 =	vmul.f32 $1.131370830e+01, v2;
	[tilespmem:s0+$0x60] =	vst v62  }
0x106: {  	s1 =	sshll.u32 s1, $0x4;
	[tilespmem:s0+$0x70] =	vst v63  }
0x107: {  	s31 =	sadd.s32 s3, s1;
	[tilespmem:s0+$0xFFFFFFF0] =	vst v2  }
0x108: {  	[hbm4b:s31+s4] =	stream.linear.scatter [tilespmem:s18], [sflag:$0xA], $0x4000, $0x38;
	[tilespmem:$0x1A400] =	vst v63  }
0x109: {  	_ =	swait.ge [sflag:s23], $0x4000  }
0x10a: {  	[sflag:s23] =	ssyncset.done $0x0  }
0x10b: {  	[sflag:s23] =	ssyncadd.s32 $0xFFFFC000  }
0x10c: {  	_ =	swait.ge [sflag:s24], $0x4000  }
0x10d: {  	[sflag:s24] =	ssyncset.done $0x0  }
0x10e: {  	[sflag:s24] =	ssyncadd.s32 $0xFFFFC000  }
0x10f: {  	_ =	swait.ge [sflag:s25], $0x4000  }
0x110: {  	[sflag:s25] =	ssyncset.done $0x0  }
0x111: {  	[sflag:s25] =	ssyncadd.s32 $0xFFFFC000  }
0x112: {  	_ =	swait.ge [sflag:s26], $0x4000  }
0x113: {  	[sflag:s26] =	ssyncset.done $0x0  }
0x114: {  	[sflag:s26] =	ssyncadd.s32 $0xFFFFC000  }
0x115: {  	_ =	swait.ge [sflag:s28], $0x4000  }
0x116: {  	s29 =	sadd.s32 $0x1, s29;
	s0 =	rddreg [dreg:$0x5]  }
0x117: {  	p0 =	sne.s32 s29, s0  }
.Ltmp6:
0x118: {  	_ = 	snop;
	(pc) =	sbr.rel @p0 .LBB2_1-.Ltmp6, $3  }
0x119: {  	_ =	sdelay $0x1  }
0x11a: {  	[sflag:s28] =	ssyncset.done $0x0  }
0x11b: {  	[sflag:s28] =	ssyncadd.s32 $0xFFFFC000  }
0x11c: {  	_ =	sfence.sel $0x180000  }
0x11d: {  	[bflag:$0x0] =	sbarrier.arrive $0xFFFF  }
0x11e: {  	_ =	strace $0x90000047  }
0x11f: {  	s0 =	stileid.u32;
	[bflag:$0x2] =	sbarrier.arrive $0xFFFF  }
0x120: {  	p0 =	sne.s32 s0, $0x0;
	s0 =	rddreg [dreg:$0x3]  }
0x121: {  	s0 =	sadd.s32 @!p0 $0x100000, s0  }
0x122: {  	[sflag:s0] =	ssyncadd.tile.s32 @!p0 $0x1;
	_ =	shalt  }
.Lfunc_end2:
_tile_overlayer_lowered:
.L_overlay_start_2:
0x123: {  	(tag) =	ssettag $0x2  }
0x124: {  	s0 =	rddreg [dreg:$0x0];
	s2 =	stileid.u32  }
0x125: {  	s1 =	rddreg [dreg:$0x1];
	p0 =	sne.s32 s2, $0x0  }
0x126: {  	s3 =	rddreg [dreg:$0x2];
	[bflag:$0x3] =	sbarrier.arrive $0xFFFF;
	s2 =	simm.s32 @!p0 $0x1C0B  }
0x127: {  	[timem:s3], [sflag:s2] =	dma.local @!p0 [hbm:s0], s1  }
0x128: {  	s0 =	simm.s32 @!p0 $0xB  }
0x129: {  	_ =	swait.ge @!p0 [sflag:s0], s1  }
0x12a: {  	s1 =	ssub.s32 @!p0 $0x0, s1;
	[sflag:s0] =	ssyncset.done @!p0 $0x0  }
0x12b: {  	[sflag:s0] =	ssyncadd.s32 @!p0 s1  }
0x12c: {  	[bflag:$0x3] =	sbarrier.arrive $0xFFFF  }
0x12d: {  	_ =	shalt  }

</sc_bundles>
